<compile_context>
chip_gen: v7x
topology: tpu7x:2x2x1
jax: 0.10.2.dev20260603
libtpu: 0.0.44.dev20260713+nightly
codegen_flags: <defaults>
</compile_context>

<pallas_src>
import functools

import jax
import jax.numpy as jnp
from jax import lax
from jax.experimental import pallas as pl
from jax.experimental.pallas import tpu as pltpu
from jax.experimental.pallas import tpu_sc as plsc

NW = 32
CHUNK = 128
ZROWS = 64
ROWS_PER_TILE = 640
N_PAD = 16 * ROWS_PER_TILE


def _tc_transform(x, W, b):
    N, Din = x.shape
    R, _, Dh = W.shape

    def body(x_ref, w_ref, b_ref, out_ref):
        h = jnp.dot(x_ref[...], w_ref[0], preferred_element_type=jnp.float32)
        out_ref[0] = jnp.maximum(h + b_ref[...], 0.0)

    return pl.pallas_call(
        body,
        grid=(R,),
        in_specs=[
            pl.BlockSpec((N, Din), lambda r: (0, 0)),
            pl.BlockSpec((1, Din, Dh), lambda r: (r, 0, 0)),
            pl.BlockSpec((1, Dh), lambda r: (0, 0)),
        ],
        out_specs=pl.BlockSpec((1, N, Dh), lambda r: (r, 0, 0)),
        out_shape=jax.ShapeDtypeStruct((R, N, Dh), jnp.float32),
    )(x, W, b.reshape(1, Dh))


def _tc_transform_sum(parts, W, b, N):
    R, _, Dh = W.shape
    Din = parts.shape[2]

    def body(p_ref, w_ref, b_ref, out_ref):
        h = p_ref[0] + p_ref[1]
        hh = jnp.dot(h, w_ref[0], preferred_element_type=jnp.float32)
        out_ref[0] = jnp.maximum(hh + b_ref[...], 0.0)

    return pl.pallas_call(
        body,
        grid=(R,),
        in_specs=[
            pl.BlockSpec((2, N, Din), lambda r: (0, 0, 0)),
            pl.BlockSpec((1, Din, Dh), lambda r: (r, 0, 0)),
            pl.BlockSpec((1, Dh), lambda r: (0, 0)),
        ],
        out_specs=pl.BlockSpec((1, N, Dh), lambda r: (r, 0, 0)),
        out_shape=jax.ShapeDtypeStruct((R, N, Dh), jnp.float32),
    )(parts, W, b.reshape(1, Dh))


def _tc_sum(parts, N):
    D = parts.shape[2]

    def body(p_ref, out_ref):
        out_ref[...] = p_ref[0] + p_ref[1]

    return pl.pallas_call(
        body,
        grid=(1,),
        in_specs=[pl.BlockSpec((2, N, D), lambda i: (0, 0, 0))],
        out_specs=pl.BlockSpec((N, D), lambda i: (0, 0)),
        out_shape=jax.ShapeDtypeStruct((N, D), jnp.float32),
    )(parts)


def _sc_edge_agg(h_table, gidx, didx, zblock, nchunk, D):
    mesh = plsc.VectorSubcoreMesh(core_axis_name="c", subcore_axis_name="s")

    @functools.partial(
        pl.kernel,
        mesh=mesh,
        out_type=jax.ShapeDtypeStruct((2, N_PAD, D), jnp.float32),
        scratch_types=[
            pltpu.VMEM((nchunk, CHUNK), jnp.int32),
            pltpu.VMEM((nchunk, CHUNK), jnp.int32),
            pltpu.VMEM((CHUNK, D), jnp.float32),
            pltpu.VMEM((ZROWS, D), jnp.float32),
            pltpu.VMEM_SHARED((N_PAD, D), jnp.float32),
            pltpu.SemaphoreType.DMA,
        ],
    )
    def run(h_hbm, gidx_hbm, didx_hbm, z_hbm, out_hbm,
            gidx_v, didx_v, rows_v, zbuf, acc, sem):
        cid = lax.axis_index("c")
        sid = lax.axis_index("s")
        wid = sid * 2 + cid

        pltpu.sync_copy(z_hbm, zbuf)
        for k in range(ROWS_PER_TILE // ZROWS):
            pltpu.sync_copy(
                zbuf, acc.at[pl.ds(sid * ROWS_PER_TILE + k * ZROWS, ZROWS)])

        pltpu.sync_copy(gidx_hbm.at[wid], gidx_v)
        pltpu.sync_copy(didx_hbm.at[wid], didx_v)
        plsc.subcore_barrier()

        def body(j, carry):
            pltpu.async_copy(h_hbm.at[gidx_v.at[j]], rows_v, sem).wait()
            pltpu.sync_copy(rows_v, acc.at[didx_v.at[j]], add=True)
            return carry

        lax.fori_loop(0, nchunk, body, 0)
        plsc.subcore_barrier()

        pltpu.sync_copy(
            acc.at[pl.ds(sid * ROWS_PER_TILE, ROWS_PER_TILE)],
            out_hbm.at[cid, pl.ds(sid * ROWS_PER_TILE, ROWS_PER_TILE)])

    return run(h_table, gidx, didx, zblock)


def kernel(x, edge_index, edge_type, W1, b1, W2, b2):
    N, D = x.shape
    E = edge_index.shape[1]

    src = edge_index[0].astype(jnp.int32)
    dst = edge_index[1].astype(jnp.int32)
    et = edge_type.astype(jnp.int32)

    gidx = et * N + src
    ep_total = ((E + NW * CHUNK - 1) // (NW * CHUNK)) * (NW * CHUNK)
    pad = ep_total - E
    nchunk = ep_total // (NW * CHUNK)
    gidx = jnp.concatenate([gidx, jnp.zeros((pad,), jnp.int32)])
    didx = jnp.concatenate([dst, jnp.full((pad,), N, jnp.int32)])
    gidx = gidx.reshape(NW, nchunk, CHUNK)
    didx = didx.reshape(NW, nchunk, CHUNK)
    zblock = jnp.zeros((ZROWS, D), jnp.float32)

    H1 = _tc_transform(x, W1, b1).reshape(-1, D)
    parts1 = _sc_edge_agg(H1, gidx, didx, zblock, nchunk, D)
    H2 = _tc_transform_sum(parts1, W2, b2, N).reshape(-1, D)
    parts2 = _sc_edge_agg(H2, gidx, didx, zblock, nchunk, D)
    return _tc_sum(parts2, N)

# --- scband reference (transcript-rebuilt; emitter-appended) ---
"""Pipeline reference for scband-rgcn-15006615732838 (READ-ONLY COPY).

The authoritative reference and input builder live on the scoring server;
editing this copy changes nothing except your own understanding.
"""

import jax, jax.numpy as jnp
import numpy as np

NUM_NODES = 10000
NUM_RELATIONS = 8
NODE_DIM = 128
HIDDEN_DIM = 128
NUM_EDGES = 320000


def setup_inputs(seed: int = 0) -> dict:
    key = jax.random.key(seed)
    k1, k2, k3, k4, k5 = jax.random.split(key, 5)
    x = jax.random.normal(k1, (NUM_NODES, NODE_DIM), dtype=jnp.float32)
    edge_index = jax.random.randint(k2, (2, NUM_EDGES), 0, NUM_NODES).astype(jnp.int64)
    edge_type = jax.random.randint(k3, (NUM_EDGES,), 0, NUM_RELATIONS).astype(jnp.int64)
    # Xavier-uniform init for relation weights, zeros for bias (per nn.init in module)
    limit1 = float(np.sqrt(6.0 / (NODE_DIM + HIDDEN_DIM)))
    W1 = jax.random.uniform(k4, (NUM_RELATIONS, NODE_DIM, HIDDEN_DIM), dtype=jnp.float32, minval=-limit1, maxval=limit1)
    b1 = jnp.zeros((HIDDEN_DIM,), dtype=jnp.float32)
    limit2 = float(np.sqrt(6.0 / (HIDDEN_DIM + HIDDEN_DIM)))
    W2 = jax.random.uniform(k5, (NUM_RELATIONS, HIDDEN_DIM, HIDDEN_DIM), dtype=jnp.float32, minval=-limit2, maxval=limit2)
    b2 = jnp.zeros((HIDDEN_DIM,), dtype=jnp.float32)
    return {"x": x, "edge_index": edge_index, "edge_type": edge_type, "W1": W1, "b1": b1, "W2": W2, "b2": b2}


def _rgcn_layer(x, W, b, src, dst, edge_type, num_nodes):
    out = jnp.zeros((num_nodes, W.shape[2]), dtype=x.dtype)
    for r in range(NUM_RELATIONS):
        # math-equivalent to gathering x[src] then matmul with W[r]:
        # transform all nodes once, then gather per edge
        h = x @ W[r]
        msg = jax.nn.relu(h[src] + b)
        mask = (edge_type == r).astype(x.dtype)
        out = out + jax.ops.segment_sum(msg * mask[:, None], dst, num_segments=num_nodes)
    return out


def reference(x, edge_index, edge_type, W1, b1, W2, b2):
    src = edge_index[0]
    dst = edge_index[1]
    num_nodes = x.shape[0]
    h = _rgcn_layer(x, W1, b1, src, dst, edge_type, num_nodes)
    # dropout p=0.0 -> identity
    h = _rgcn_layer(h, W2, b2, src, dst, edge_type, num_nodes)
    return h

if __name__ == "__main__":
    import jax
    _d = setup_inputs()
    print(jax.jit(kernel)(*tuple(_d.values())))

</pallas_src>

<mosaic_0001>
#map = affine_map<(d0, d1) -> (0, 0)>
#map1 = affine_map<(d0, d1) -> (0, 0, 0)>
module attributes {stable_mosaic.version = 14 : i64} {
  func.func @run(%arg0: i32, %arg1: i32, %arg2: memref<80000x128xf32, #tpu.memory_space<hbm>>, %arg3: memref<32x79x128xi32, #tpu.memory_space<hbm>>, %arg4: memref<32x79x128xi32, #tpu.memory_space<hbm>>, %arg5: memref<64x128xf32, #tpu.memory_space<hbm>>, %arg6: memref<2x10240x128xf32, #tpu.memory_space<hbm>>, %arg7: memref<79x128xi32, #tpu.memory_space<vmem>>, %arg8: memref<79x128xi32, #tpu.memory_space<vmem>>, %arg9: memref<128x128xf32, #tpu.memory_space<vmem>>, %arg10: memref<64x128xf32, #tpu.memory_space<vmem>>, %arg11: memref<10240x128xf32, #tpu.memory_space<vmem_shared>>, %arg12: memref<!tpu.dma_semaphore, #tpu.memory_space<semaphore_mem>>) attributes {dimension_semantics = [#tpu.dimension_semantics<core_parallel>, #tpu.dimension_semantics<subcore_parallel>], iteration_bounds = array<i64: 2, 16>, scalar_prefetch = 0 : i64, scratch_operands = 6 : i64, tpu.core_type = #tpu.core_type<sc_vector_subcore>, window_params = [{transform_indices = #map}, {transform_indices = #map1}, {transform_indices = #map1}, {transform_indices = #map}, {transform_indices = #map1}]} {
    %mul3A = arith.constant 2 : i32
    %mul3A_0 = arith.muli %arg1, %mul3A : i32
    %add3A = arith.addi %mul3A_0, %arg0 : i32
    "tpu.region"() ({
      %run_scoped3A = tpu.sem_alloc : memref<!tpu.dma_semaphore, #tpu.memory_space<semaphore_mem>>
      tpu.enqueue_dma source(%arg5 : memref<64x128xf32, #tpu.memory_space<hbm>>) target(%arg10 : memref<64x128xf32, #tpu.memory_space<vmem>>) target_semaphore(%run_scoped3A : memref<!tpu.dma_semaphore, #tpu.memory_space<semaphore_mem>>)
      tpu.wait_dma2 semaphore(%run_scoped3A : memref<!tpu.dma_semaphore, #tpu.memory_space<semaphore_mem>>) src(%arg5 : memref<64x128xf32, #tpu.memory_space<hbm>>) dst(%arg10 : memref<64x128xf32, #tpu.memory_space<vmem>>)
      tpu.yield
    }) : () -> ()
    %mul3A_1 = arith.constant 640 : i32
    %mul3A_2 = arith.muli %arg1, %mul3A_1 : i32
    %add3A_3 = arith.constant 0 : i32
    %add3A_4 = arith.addi %mul3A_2, %add3A_3 : i32
    "tpu.region"() ({
      %run_scoped3A = tpu.sem_alloc : memref<!tpu.dma_semaphore, #tpu.memory_space<semaphore_mem>>
      %dma_start3A = arith.constant 0 : i32
      %dma_start3A_51 = tpu.memref_slice %arg11[%add3A_4, %dma_start3A] : memref<10240x128xf32, #tpu.memory_space<vmem_shared>> -> memref<64x128xf32, #tpu.memory_space<vmem_shared>>
      %dma_start3A_52 = arith.constant 0 : i32
      %dma_start3A_53 = tpu.memref_slice %arg11[%add3A_4, %dma_start3A_52] : memref<10240x128xf32, #tpu.memory_space<vmem_shared>> -> memref<64x128xf32, #tpu.memory_space<vmem_shared>>
      tpu.enqueue_dma source(%arg10 : memref<64x128xf32, #tpu.memory_space<vmem>>) target(%dma_start3A_53 : memref<64x128xf32, #tpu.memory_space<vmem_shared>>) target_semaphore(%run_scoped3A : memref<!tpu.dma_semaphore, #tpu.memory_space<semaphore_mem>>)
      %dma_wait3A = arith.constant 0 : i32
      %dma_wait3A_54 = tpu.memref_slice %arg11[%add3A_4, %dma_wait3A] : memref<10240x128xf32, #tpu.memory_space<vmem_shared>> -> memref<64x128xf32, #tpu.memory_space<vmem_shared>>
      %dma_wait3A_55 = arith.constant 0 : i32
      %dma_wait3A_56 = tpu.memref_slice %arg11[%add3A_4, %dma_wait3A_55] : memref<10240x128xf32, #tpu.memory_space<vmem_shared>> -> memref<64x128xf32, #tpu.memory_space<vmem_shared>>
      tpu.wait_dma2 semaphore(%run_scoped3A : memref<!tpu.dma_semaphore, #tpu.memory_space<semaphore_mem>>) src(%arg10 : memref<64x128xf32, #tpu.memory_space<vmem>>) dst(%dma_wait3A_56 : memref<64x128xf32, #tpu.memory_space<vmem_shared>>)
      tpu.yield
    }) : () -> ()
    %mul3A_5 = arith.constant 640 : i32
    %mul3A_6 = arith.muli %arg1, %mul3A_5 : i32
    %add3A_7 = arith.constant 64 : i32
    %add3A_8 = arith.addi %mul3A_6, %add3A_7 : i32
    "tpu.region"() ({
      %run_scoped3A = tpu.sem_alloc : memref<!tpu.dma_semaphore, #tpu.memory_space<semaphore_mem>>
      %dma_start3A = arith.constant 0 : i32
      %dma_start3A_51 = tpu.memref_slice %arg11[%add3A_8, %dma_start3A] : memref<10240x128xf32, #tpu.memory_space<vmem_shared>> -> memref<64x128xf32, #tpu.memory_space<vmem_shared>>
      %dma_start3A_52 = arith.constant 0 : i32
      %dma_start3A_53 = tpu.memref_slice %arg11[%add3A_8, %dma_start3A_52] : memref<10240x128xf32, #tpu.memory_space<vmem_shared>> -> memref<64x128xf32, #tpu.memory_space<vmem_shared>>
      tpu.enqueue_dma source(%arg10 : memref<64x128xf32, #tpu.memory_space<vmem>>) target(%dma_start3A_53 : memref<64x128xf32, #tpu.memory_space<vmem_shared>>) target_semaphore(%run_scoped3A : memref<!tpu.dma_semaphore, #tpu.memory_space<semaphore_mem>>)
      %dma_wait3A = arith.constant 0 : i32
      %dma_wait3A_54 = tpu.memref_slice %arg11[%add3A_8, %dma_wait3A] : memref<10240x128xf32, #tpu.memory_space<vmem_shared>> -> memref<64x128xf32, #tpu.memory_space<vmem_shared>>
      %dma_wait3A_55 = arith.constant 0 : i32
      %dma_wait3A_56 = tpu.memref_slice %arg11[%add3A_8, %dma_wait3A_55] : memref<10240x128xf32, #tpu.memory_space<vmem_shared>> -> memref<64x128xf32, #tpu.memory_space<vmem_shared>>
      tpu.wait_dma2 semaphore(%run_scoped3A : memref<!tpu.dma_semaphore, #tpu.memory_space<semaphore_mem>>) src(%arg10 : memref<64x128xf32, #tpu.memory_space<vmem>>) dst(%dma_wait3A_56 : memref<64x128xf32, #tpu.memory_space<vmem_shared>>)
      tpu.yield
    }) : () -> ()
    %mul3A_9 = arith.constant 640 : i32
    %mul3A_10 = arith.muli %arg1, %mul3A_9 : i32
    %add3A_11 = arith.constant 128 : i32
    %add3A_12 = arith.addi %mul3A_10, %add3A_11 : i32
    "tpu.region"() ({
      %run_scoped3A = tpu.sem_alloc : memref<!tpu.dma_semaphore, #tpu.memory_space<semaphore_mem>>
      %dma_start3A = arith.constant 0 : i32
      %dma_start3A_51 = tpu.memref_slice %arg11[%add3A_12, %dma_start3A] : memref<10240x128xf32, #tpu.memory_space<vmem_shared>> -> memref<64x128xf32, #tpu.memory_space<vmem_shared>>
      %dma_start3A_52 = arith.constant 0 : i32
      %dma_start3A_53 = tpu.memref_slice %arg11[%add3A_12, %dma_start3A_52] : memref<10240x128xf32, #tpu.memory_space<vmem_shared>> -> memref<64x128xf32, #tpu.memory_space<vmem_shared>>
      tpu.enqueue_dma source(%arg10 : memref<64x128xf32, #tpu.memory_space<vmem>>) target(%dma_start3A_53 : memref<64x128xf32, #tpu.memory_space<vmem_shared>>) target_semaphore(%run_scoped3A : memref<!tpu.dma_semaphore, #tpu.memory_space<semaphore_mem>>)
      %dma_wait3A = arith.constant 0 : i32
      %dma_wait3A_54 = tpu.memref_slice %arg11[%add3A_12, %dma_wait3A] : memref<10240x128xf32, #tpu.memory_space<vmem_shared>> -> memref<64x128xf32, #tpu.memory_space<vmem_shared>>
      %dma_wait3A_55 = arith.constant 0 : i32
      %dma_wait3A_56 = tpu.memref_slice %arg11[%add3A_12, %dma_wait3A_55] : memref<10240x128xf32, #tpu.memory_space<vmem_shared>> -> memref<64x128xf32, #tpu.memory_space<vmem_shared>>
      tpu.wait_dma2 semaphore(%run_scoped3A : memref<!tpu.dma_semaphore, #tpu.memory_space<semaphore_mem>>) src(%arg10 : memref<64x128xf32, #tpu.memory_space<vmem>>) dst(%dma_wait3A_56 : memref<64x128xf32, #tpu.memory_space<vmem_shared>>)
      tpu.yield
    }) : () -> ()
    %mul3A_13 = arith.constant 640 : i32
    %mul3A_14 = arith.muli %arg1, %mul3A_13 : i32
    %add3A_15 = arith.constant 192 : i32
    %add3A_16 = arith.addi %mul3A_14, %add3A_15 : i32
    "tpu.region"() ({
      %run_scoped3A = tpu.sem_alloc : memref<!tpu.dma_semaphore, #tpu.memory_space<semaphore_mem>>
      %dma_start3A = arith.constant 0 : i32
      %dma_start3A_51 = tpu.memref_slice %arg11[%add3A_16, %dma_start3A] : memref<10240x128xf32, #tpu.memory_space<vmem_shared>> -> memref<64x128xf32, #tpu.memory_space<vmem_shared>>
      %dma_start3A_52 = arith.constant 0 : i32
      %dma_start3A_53 = tpu.memref_slice %arg11[%add3A_16, %dma_start3A_52] : memref<10240x128xf32, #tpu.memory_space<vmem_shared>> -> memref<64x128xf32, #tpu.memory_space<vmem_shared>>
      tpu.enqueue_dma source(%arg10 : memref<64x128xf32, #tpu.memory_space<vmem>>) target(%dma_start3A_53 : memref<64x128xf32, #tpu.memory_space<vmem_shared>>) target_semaphore(%run_scoped3A : memref<!tpu.dma_semaphore, #tpu.memory_space<semaphore_mem>>)
      %dma_wait3A = arith.constant 0 : i32
      %dma_wait3A_54 = tpu.memref_slice %arg11[%add3A_16, %dma_wait3A] : memref<10240x128xf32, #tpu.memory_space<vmem_shared>> -> memref<64x128xf32, #tpu.memory_space<vmem_shared>>
      %dma_wait3A_55 = arith.constant 0 : i32
      %dma_wait3A_56 = tpu.memref_slice %arg11[%add3A_16, %dma_wait3A_55] : memref<10240x128xf32, #tpu.memory_space<vmem_shared>> -> memref<64x128xf32, #tpu.memory_space<vmem_shared>>
      tpu.wait_dma2 semaphore(%run_scoped3A : memref<!tpu.dma_semaphore, #tpu.memory_space<semaphore_mem>>) src(%arg10 : memref<64x128xf32, #tpu.memory_space<vmem>>) dst(%dma_wait3A_56 : memref<64x128xf32, #tpu.memory_space<vmem_shared>>)
      tpu.yield
    }) : () -> ()
    %mul3A_17 = arith.constant 640 : i32
    %mul3A_18 = arith.muli %arg1, %mul3A_17 : i32
    %add3A_19 = arith.constant 256 : i32
    %add3A_20 = arith.addi %mul3A_18, %add3A_19 : i32
    "tpu.region"() ({
      %run_scoped3A = tpu.sem_alloc : memref<!tpu.dma_semaphore, #tpu.memory_space<semaphore_mem>>
      %dma_start3A = arith.constant 0 : i32
      %dma_start3A_51 = tpu.memref_slice %arg11[%add3A_20, %dma_start3A] : memref<10240x128xf32, #tpu.memory_space<vmem_shared>> -> memref<64x128xf32, #tpu.memory_space<vmem_shared>>
      %dma_start3A_52 = arith.constant 0 : i32
      %dma_start3A_53 = tpu.memref_slice %arg11[%add3A_20, %dma_start3A_52] : memref<10240x128xf32, #tpu.memory_space<vmem_shared>> -> memref<64x128xf32, #tpu.memory_space<vmem_shared>>
      tpu.enqueue_dma source(%arg10 : memref<64x128xf32, #tpu.memory_space<vmem>>) target(%dma_start3A_53 : memref<64x128xf32, #tpu.memory_space<vmem_shared>>) target_semaphore(%run_scoped3A : memref<!tpu.dma_semaphore, #tpu.memory_space<semaphore_mem>>)
      %dma_wait3A = arith.constant 0 : i32
      %dma_wait3A_54 = tpu.memref_slice %arg11[%add3A_20, %dma_wait3A] : memref<10240x128xf32, #tpu.memory_space<vmem_shared>> -> memref<64x128xf32, #tpu.memory_space<vmem_shared>>
      %dma_wait3A_55 = arith.constant 0 : i32
      %dma_wait3A_56 = tpu.memref_slice %arg11[%add3A_20, %dma_wait3A_55] : memref<10240x128xf32, #tpu.memory_space<vmem_shared>> -> memref<64x128xf32, #tpu.memory_space<vmem_shared>>
      tpu.wait_dma2 semaphore(%run_scoped3A : memref<!tpu.dma_semaphore, #tpu.memory_space<semaphore_mem>>) src(%arg10 : memref<64x128xf32, #tpu.memory_space<vmem>>) dst(%dma_wait3A_56 : memref<64x128xf32, #tpu.memory_space<vmem_shared>>)
      tpu.yield
    }) : () -> ()
    %mul3A_21 = arith.constant 640 : i32
    %mul3A_22 = arith.muli %arg1, %mul3A_21 : i32
    %add3A_23 = arith.constant 320 : i32
    %add3A_24 = arith.addi %mul3A_22, %add3A_23 : i32
    "tpu.region"() ({
      %run_scoped3A = tpu.sem_alloc : memref<!tpu.dma_semaphore, #tpu.memory_space<semaphore_mem>>
      %dma_start3A = arith.constant 0 : i32
      %dma_start3A_51 = tpu.memref_slice %arg11[%add3A_24, %dma_start3A] : memref<10240x128xf32, #tpu.memory_space<vmem_shared>> -> memref<64x128xf32, #tpu.memory_space<vmem_shared>>
      %dma_start3A_52 = arith.constant 0 : i32
      %dma_start3A_53 = tpu.memref_slice %arg11[%add3A_24, %dma_start3A_52] : memref<10240x128xf32, #tpu.memory_space<vmem_shared>> -> memref<64x128xf32, #tpu.memory_space<vmem_shared>>
      tpu.enqueue_dma source(%arg10 : memref<64x128xf32, #tpu.memory_space<vmem>>) target(%dma_start3A_53 : memref<64x128xf32, #tpu.memory_space<vmem_shared>>) target_semaphore(%run_scoped3A : memref<!tpu.dma_semaphore, #tpu.memory_space<semaphore_mem>>)
      %dma_wait3A = arith.constant 0 : i32
      %dma_wait3A_54 = tpu.memref_slice %arg11[%add3A_24, %dma_wait3A] : memref<10240x128xf32, #tpu.memory_space<vmem_shared>> -> memref<64x128xf32, #tpu.memory_space<vmem_shared>>
      %dma_wait3A_55 = arith.constant 0 : i32
      %dma_wait3A_56 = tpu.memref_slice %arg11[%add3A_24, %dma_wait3A_55] : memref<10240x128xf32, #tpu.memory_space<vmem_shared>> -> memref<64x128xf32, #tpu.memory_space<vmem_shared>>
      tpu.wait_dma2 semaphore(%run_scoped3A : memref<!tpu.dma_semaphore, #tpu.memory_space<semaphore_mem>>) src(%arg10 : memref<64x128xf32, #tpu.memory_space<vmem>>) dst(%dma_wait3A_56 : memref<64x128xf32, #tpu.memory_space<vmem_shared>>)
      tpu.yield
    }) : () -> ()
    %mul3A_25 = arith.constant 640 : i32
    %mul3A_26 = arith.muli %arg1, %mul3A_25 : i32
    %add3A_27 = arith.constant 384 : i32
    %add3A_28 = arith.addi %mul3A_26, %add3A_27 : i32
    "tpu.region"() ({
      %run_scoped3A = tpu.sem_alloc : memref<!tpu.dma_semaphore, #tpu.memory_space<semaphore_mem>>
      %dma_start3A = arith.constant 0 : i32
      %dma_start3A_51 = tpu.memref_slice %arg11[%add3A_28, %dma_start3A] : memref<10240x128xf32, #tpu.memory_space<vmem_shared>> -> memref<64x128xf32, #tpu.memory_space<vmem_shared>>
      %dma_start3A_52 = arith.constant 0 : i32
      %dma_start3A_53 = tpu.memref_slice %arg11[%add3A_28, %dma_start3A_52] : memref<10240x128xf32, #tpu.memory_space<vmem_shared>> -> memref<64x128xf32, #tpu.memory_space<vmem_shared>>
      tpu.enqueue_dma source(%arg10 : memref<64x128xf32, #tpu.memory_space<vmem>>) target(%dma_start3A_53 : memref<64x128xf32, #tpu.memory_space<vmem_shared>>) target_semaphore(%run_scoped3A : memref<!tpu.dma_semaphore, #tpu.memory_space<semaphore_mem>>)
      %dma_wait3A = arith.constant 0 : i32
      %dma_wait3A_54 = tpu.memref_slice %arg11[%add3A_28, %dma_wait3A] : memref<10240x128xf32, #tpu.memory_space<vmem_shared>> -> memref<64x128xf32, #tpu.memory_space<vmem_shared>>
      %dma_wait3A_55 = arith.constant 0 : i32
      %dma_wait3A_56 = tpu.memref_slice %arg11[%add3A_28, %dma_wait3A_55] : memref<10240x128xf32, #tpu.memory_space<vmem_shared>> -> memref<64x128xf32, #tpu.memory_space<vmem_shared>>
      tpu.wait_dma2 semaphore(%run_scoped3A : memref<!tpu.dma_semaphore, #tpu.memory_space<semaphore_mem>>) src(%arg10 : memref<64x128xf32, #tpu.memory_space<vmem>>) dst(%dma_wait3A_56 : memref<64x128xf32, #tpu.memory_space<vmem_shared>>)
      tpu.yield
    }) : () -> ()
    %mul3A_29 = arith.constant 640 : i32
    %mul3A_30 = arith.muli %arg1, %mul3A_29 : i32
    %add3A_31 = arith.constant 448 : i32
    %add3A_32 = arith.addi %mul3A_30, %add3A_31 : i32
    "tpu.region"() ({
      %run_scoped3A = tpu.sem_alloc : memref<!tpu.dma_semaphore, #tpu.memory_space<semaphore_mem>>
      %dma_start3A = arith.constant 0 : i32
      %dma_start3A_51 = tpu.memref_slice %arg11[%add3A_32, %dma_start3A] : memref<10240x128xf32, #tpu.memory_space<vmem_shared>> -> memref<64x128xf32, #tpu.memory_space<vmem_shared>>
      %dma_start3A_52 = arith.constant 0 : i32
      %dma_start3A_53 = tpu.memref_slice %arg11[%add3A_32, %dma_start3A_52] : memref<10240x128xf32, #tpu.memory_space<vmem_shared>> -> memref<64x128xf32, #tpu.memory_space<vmem_shared>>
      tpu.enqueue_dma source(%arg10 : memref<64x128xf32, #tpu.memory_space<vmem>>) target(%dma_start3A_53 : memref<64x128xf32, #tpu.memory_space<vmem_shared>>) target_semaphore(%run_scoped3A : memref<!tpu.dma_semaphore, #tpu.memory_space<semaphore_mem>>)
      %dma_wait3A = arith.constant 0 : i32
      %dma_wait3A_54 = tpu.memref_slice %arg11[%add3A_32, %dma_wait3A] : memref<10240x128xf32, #tpu.memory_space<vmem_shared>> -> memref<64x128xf32, #tpu.memory_space<vmem_shared>>
      %dma_wait3A_55 = arith.constant 0 : i32
      %dma_wait3A_56 = tpu.memref_slice %arg11[%add3A_32, %dma_wait3A_55] : memref<10240x128xf32, #tpu.memory_space<vmem_shared>> -> memref<64x128xf32, #tpu.memory_space<vmem_shared>>
      tpu.wait_dma2 semaphore(%run_scoped3A : memref<!tpu.dma_semaphore, #tpu.memory_space<semaphore_mem>>) src(%arg10 : memref<64x128xf32, #tpu.memory_space<vmem>>) dst(%dma_wait3A_56 : memref<64x128xf32, #tpu.memory_space<vmem_shared>>)
      tpu.yield
    }) : () -> ()
    %mul3A_33 = arith.constant 640 : i32
    %mul3A_34 = arith.muli %arg1, %mul3A_33 : i32
    %add3A_35 = arith.constant 512 : i32
    %add3A_36 = arith.addi %mul3A_34, %add3A_35 : i32
    "tpu.region"() ({
      %run_scoped3A = tpu.sem_alloc : memref<!tpu.dma_semaphore, #tpu.memory_space<semaphore_mem>>
      %dma_start3A = arith.constant 0 : i32
      %dma_start3A_51 = tpu.memref_slice %arg11[%add3A_36, %dma_start3A] : memref<10240x128xf32, #tpu.memory_space<vmem_shared>> -> memref<64x128xf32, #tpu.memory_space<vmem_shared>>
      %dma_start3A_52 = arith.constant 0 : i32
      %dma_start3A_53 = tpu.memref_slice %arg11[%add3A_36, %dma_start3A_52] : memref<10240x128xf32, #tpu.memory_space<vmem_shared>> -> memref<64x128xf32, #tpu.memory_space<vmem_shared>>
      tpu.enqueue_dma source(%arg10 : memref<64x128xf32, #tpu.memory_space<vmem>>) target(%dma_start3A_53 : memref<64x128xf32, #tpu.memory_space<vmem_shared>>) target_semaphore(%run_scoped3A : memref<!tpu.dma_semaphore, #tpu.memory_space<semaphore_mem>>)
      %dma_wait3A = arith.constant 0 : i32
      %dma_wait3A_54 = tpu.memref_slice %arg11[%add3A_36, %dma_wait3A] : memref<10240x128xf32, #tpu.memory_space<vmem_shared>> -> memref<64x128xf32, #tpu.memory_space<vmem_shared>>
      %dma_wait3A_55 = arith.constant 0 : i32
      %dma_wait3A_56 = tpu.memref_slice %arg11[%add3A_36, %dma_wait3A_55] : memref<10240x128xf32, #tpu.memory_space<vmem_shared>> -> memref<64x128xf32, #tpu.memory_space<vmem_shared>>
      tpu.wait_dma2 semaphore(%run_scoped3A : memref<!tpu.dma_semaphore, #tpu.memory_space<semaphore_mem>>) src(%arg10 : memref<64x128xf32, #tpu.memory_space<vmem>>) dst(%dma_wait3A_56 : memref<64x128xf32, #tpu.memory_space<vmem_shared>>)
      tpu.yield
    }) : () -> ()
    %mul3A_37 = arith.constant 640 : i32
    %mul3A_38 = arith.muli %arg1, %mul3A_37 : i32
    %add3A_39 = arith.constant 576 : i32
    %add3A_40 = arith.addi %mul3A_38, %add3A_39 : i32
    "tpu.region"() ({
      %run_scoped3A = tpu.sem_alloc : memref<!tpu.dma_semaphore, #tpu.memory_space<semaphore_mem>>
      %dma_start3A = arith.constant 0 : i32
      %dma_start3A_51 = tpu.memref_slice %arg11[%add3A_40, %dma_start3A] : memref<10240x128xf32, #tpu.memory_space<vmem_shared>> -> memref<64x128xf32, #tpu.memory_space<vmem_shared>>
      %dma_start3A_52 = arith.constant 0 : i32
      %dma_start3A_53 = tpu.memref_slice %arg11[%add3A_40, %dma_start3A_52] : memref<10240x128xf32, #tpu.memory_space<vmem_shared>> -> memref<64x128xf32, #tpu.memory_space<vmem_shared>>
      tpu.enqueue_dma source(%arg10 : memref<64x128xf32, #tpu.memory_space<vmem>>) target(%dma_start3A_53 : memref<64x128xf32, #tpu.memory_space<vmem_shared>>) target_semaphore(%run_scoped3A : memref<!tpu.dma_semaphore, #tpu.memory_space<semaphore_mem>>)
      %dma_wait3A = arith.constant 0 : i32
      %dma_wait3A_54 = tpu.memref_slice %arg11[%add3A_40, %dma_wait3A] : memref<10240x128xf32, #tpu.memory_space<vmem_shared>> -> memref<64x128xf32, #tpu.memory_space<vmem_shared>>
      %dma_wait3A_55 = arith.constant 0 : i32
      %dma_wait3A_56 = tpu.memref_slice %arg11[%add3A_40, %dma_wait3A_55] : memref<10240x128xf32, #tpu.memory_space<vmem_shared>> -> memref<64x128xf32, #tpu.memory_space<vmem_shared>>
      tpu.wait_dma2 semaphore(%run_scoped3A : memref<!tpu.dma_semaphore, #tpu.memory_space<semaphore_mem>>) src(%arg10 : memref<64x128xf32, #tpu.memory_space<vmem>>) dst(%dma_wait3A_56 : memref<64x128xf32, #tpu.memory_space<vmem_shared>>)
      tpu.yield
    }) : () -> ()
    "tpu.region"() ({
      %run_scoped3A = tpu.sem_alloc : memref<!tpu.dma_semaphore, #tpu.memory_space<semaphore_mem>>
      %dma_start3A = arith.constant 0 : i32
      %dma_start3A_51 = arith.constant 0 : i32
      %dma_start3A_52 = tpu.memref_slice %arg3[%add3A, %dma_start3A, %dma_start3A_51] : memref<32x79x128xi32, #tpu.memory_space<hbm>> -> memref<1x79x128xi32, #tpu.memory_space<hbm>>
      %dma_start3A_53 = tpu.memref_squeeze %dma_start3A_52 : memref<1x79x128xi32, #tpu.memory_space<hbm>> -> memref<79x128xi32, #tpu.memory_space<hbm>>
      %dma_start3A_54 = arith.constant 0 : i32
      %dma_start3A_55 = arith.constant 0 : i32
      %dma_start3A_56 = tpu.memref_slice %arg3[%add3A, %dma_start3A_54, %dma_start3A_55] : memref<32x79x128xi32, #tpu.memory_space<hbm>> -> memref<1x79x128xi32, #tpu.memory_space<hbm>>
      %dma_start3A_57 = tpu.memref_squeeze %dma_start3A_56 : memref<1x79x128xi32, #tpu.memory_space<hbm>> -> memref<79x128xi32, #tpu.memory_space<hbm>>
      tpu.enqueue_dma source(%dma_start3A_57 : memref<79x128xi32, #tpu.memory_space<hbm>>) target(%arg7 : memref<79x128xi32, #tpu.memory_space<vmem>>) target_semaphore(%run_scoped3A : memref<!tpu.dma_semaphore, #tpu.memory_space<semaphore_mem>>)
      %dma_wait3A = arith.constant 0 : i32
      %dma_wait3A_58 = arith.constant 0 : i32
      %dma_wait3A_59 = tpu.memref_slice %arg3[%add3A, %dma_wait3A, %dma_wait3A_58] : memref<32x79x128xi32, #tpu.memory_space<hbm>> -> memref<1x79x128xi32, #tpu.memory_space<hbm>>
      %dma_wait3A_60 = tpu.memref_squeeze %dma_wait3A_59 : memref<1x79x128xi32, #tpu.memory_space<hbm>> -> memref<79x128xi32, #tpu.memory_space<hbm>>
      %dma_wait3A_61 = arith.constant 0 : i32
      %dma_wait3A_62 = arith.constant 0 : i32
      %dma_wait3A_63 = tpu.memref_slice %arg3[%add3A, %dma_wait3A_61, %dma_wait3A_62] : memref<32x79x128xi32, #tpu.memory_space<hbm>> -> memref<1x79x128xi32, #tpu.memory_space<hbm>>
      %dma_wait3A_64 = tpu.memref_squeeze %dma_wait3A_63 : memref<1x79x128xi32, #tpu.memory_space<hbm>> -> memref<79x128xi32, #tpu.memory_space<hbm>>
      tpu.wait_dma2 semaphore(%run_scoped3A : memref<!tpu.dma_semaphore, #tpu.memory_space<semaphore_mem>>) src(%dma_wait3A_64 : memref<79x128xi32, #tpu.memory_space<hbm>>) dst(%arg7 : memref<79x128xi32, #tpu.memory_space<vmem>>)
      tpu.yield
    }) : () -> ()
    "tpu.region"() ({
      %run_scoped3A = tpu.sem_alloc : memref<!tpu.dma_semaphore, #tpu.memory_space<semaphore_mem>>
      %dma_start3A = arith.constant 0 : i32
      %dma_start3A_51 = arith.constant 0 : i32
      %dma_start3A_52 = tpu.memref_slice %arg4[%add3A, %dma_start3A, %dma_start3A_51] : memref<32x79x128xi32, #tpu.memory_space<hbm>> -> memref<1x79x128xi32, #tpu.memory_space<hbm>>
      %dma_start3A_53 = tpu.memref_squeeze %dma_start3A_52 : memref<1x79x128xi32, #tpu.memory_space<hbm>> -> memref<79x128xi32, #tpu.memory_space<hbm>>
      %dma_start3A_54 = arith.constant 0 : i32
      %dma_start3A_55 = arith.constant 0 : i32
      %dma_start3A_56 = tpu.memref_slice %arg4[%add3A, %dma_start3A_54, %dma_start3A_55] : memref<32x79x128xi32, #tpu.memory_space<hbm>> -> memref<1x79x128xi32, #tpu.memory_space<hbm>>
      %dma_start3A_57 = tpu.memref_squeeze %dma_start3A_56 : memref<1x79x128xi32, #tpu.memory_space<hbm>> -> memref<79x128xi32, #tpu.memory_space<hbm>>
      tpu.enqueue_dma source(%dma_start3A_57 : memref<79x128xi32, #tpu.memory_space<hbm>>) target(%arg8 : memref<79x128xi32, #tpu.memory_space<vmem>>) target_semaphore(%run_scoped3A : memref<!tpu.dma_semaphore, #tpu.memory_space<semaphore_mem>>)
      %dma_wait3A = arith.constant 0 : i32
      %dma_wait3A_58 = arith.constant 0 : i32
      %dma_wait3A_59 = tpu.memref_slice %arg4[%add3A, %dma_wait3A, %dma_wait3A_58] : memref<32x79x128xi32, #tpu.memory_space<hbm>> -> memref<1x79x128xi32, #tpu.memory_space<hbm>>
      %dma_wait3A_60 = tpu.memref_squeeze %dma_wait3A_59 : memref<1x79x128xi32, #tpu.memory_space<hbm>> -> memref<79x128xi32, #tpu.memory_space<hbm>>
      %dma_wait3A_61 = arith.constant 0 : i32
      %dma_wait3A_62 = arith.constant 0 : i32
      %dma_wait3A_63 = tpu.memref_slice %arg4[%add3A, %dma_wait3A_61, %dma_wait3A_62] : memref<32x79x128xi32, #tpu.memory_space<hbm>> -> memref<1x79x128xi32, #tpu.memory_space<hbm>>
      %dma_wait3A_64 = tpu.memref_squeeze %dma_wait3A_63 : memref<1x79x128xi32, #tpu.memory_space<hbm>> -> memref<79x128xi32, #tpu.memory_space<hbm>>
      tpu.wait_dma2 semaphore(%run_scoped3A : memref<!tpu.dma_semaphore, #tpu.memory_space<semaphore_mem>>) src(%dma_wait3A_64 : memref<79x128xi32, #tpu.memory_space<hbm>>) dst(%arg8 : memref<79x128xi32, #tpu.memory_space<vmem>>)
      tpu.yield
    }) : () -> ()
    %barrier3A = arith.constant 0 : index
    tpu.barrier barrier_id(%barrier3A)
    %scan3A = arith.constant 0 : i32
    %scan3A_41 = arith.constant 0 : i32
    %scan3A_42 = arith.constant 79 : i32
    %scan3A_43 = arith.addi %scan3A_41, %scan3A_42 : i32
    %scan3A_44 = arith.constant 1 : i32
    scf.for %scan3A_51 = %scan3A_41 to %scan3A_43 step %scan3A_44  : i32 {
      %dma_start3A = arith.constant 0 : i32
      %dma_start3A_52 = tpu.memref_slice %arg7[%scan3A_51, %dma_start3A] : memref<79x128xi32, #tpu.memory_space<vmem>> -> memref<1x128xi32, #tpu.memory_space<vmem>>
      %dma_start3A_53 = tpu.memref_squeeze %dma_start3A_52 : memref<1x128xi32, #tpu.memory_space<vmem>> -> memref<128xi32, #tpu.memory_space<vmem>>
      %dma_start3A_54 = arith.constant 0 : i32
      %dma_start3A_55 = arith.constant 0 : i32
      %dma_start3A_56 = tpu.memref_slice %arg2[%dma_start3A_54, %dma_start3A_55] : memref<80000x128xf32, #tpu.memory_space<hbm>> -> memref<80000x128xf32, #tpu.memory_space<hbm>>
      tpu.enqueue_indirect_dma source(%dma_start3A_56 : memref<80000x128xf32, #tpu.memory_space<hbm>>) target(%arg9 : memref<128x128xf32, #tpu.memory_space<vmem>>) offsets(%dma_start3A_53 : memref<128xi32, #tpu.memory_space<vmem>>) semaphore(%arg12 : memref<!tpu.dma_semaphore, #tpu.memory_space<semaphore_mem>>)
      %dma_wait3A = arith.constant 0 : i32
      %dma_wait3A_57 = tpu.memref_slice %arg7[%scan3A_51, %dma_wait3A] : memref<79x128xi32, #tpu.memory_space<vmem>> -> memref<1x128xi32, #tpu.memory_space<vmem>>
      %dma_wait3A_58 = tpu.memref_squeeze %dma_wait3A_57 : memref<1x128xi32, #tpu.memory_space<vmem>> -> memref<128xi32, #tpu.memory_space<vmem>>
      %dma_wait3A_59 = arith.constant 0 : i32
      %dma_wait3A_60 = arith.constant 0 : i32
      %dma_wait3A_61 = tpu.memref_slice %arg2[%dma_wait3A_59, %dma_wait3A_60] : memref<80000x128xf32, #tpu.memory_space<hbm>> -> memref<80000x128xf32, #tpu.memory_space<hbm>>
      tpu.wait_indirect_dma semaphore(%arg12 : memref<!tpu.dma_semaphore, #tpu.memory_space<semaphore_mem>>) src(%dma_wait3A_61 : memref<80000x128xf32, #tpu.memory_space<hbm>>) dst(%arg9 : memref<128x128xf32, #tpu.memory_space<vmem>>)
      "tpu.region"() ({
        %run_scoped3A = tpu.sem_alloc : memref<!tpu.dma_semaphore, #tpu.memory_space<semaphore_mem>>
        %dma_start3A_62 = arith.constant 0 : i32
        %dma_start3A_63 = tpu.memref_slice %arg8[%scan3A_51, %dma_start3A_62] : memref<79x128xi32, #tpu.memory_space<vmem>> -> memref<1x128xi32, #tpu.memory_space<vmem>>
        %dma_start3A_64 = tpu.memref_squeeze %dma_start3A_63 : memref<1x128xi32, #tpu.memory_space<vmem>> -> memref<128xi32, #tpu.memory_space<vmem>>
        %dma_start3A_65 = arith.constant 0 : i32
        %dma_start3A_66 = arith.constant 0 : i32
        %dma_start3A_67 = tpu.memref_slice %arg11[%dma_start3A_65, %dma_start3A_66] : memref<10240x128xf32, #tpu.memory_space<vmem_shared>> -> memref<10240x128xf32, #tpu.memory_space<vmem_shared>>
        tpu.enqueue_indirect_dma source(%arg9 : memref<128x128xf32, #tpu.memory_space<vmem>>) target(%dma_start3A_67 : memref<10240x128xf32, #tpu.memory_space<vmem_shared>>) offsets(%dma_start3A_64 : memref<128xi32, #tpu.memory_space<vmem>>) semaphore(%run_scoped3A : memref<!tpu.dma_semaphore, #tpu.memory_space<semaphore_mem>>) {add = true}
        %dma_wait3A_68 = arith.constant 0 : i32
        %dma_wait3A_69 = tpu.memref_slice %arg8[%scan3A_51, %dma_wait3A_68] : memref<79x128xi32, #tpu.memory_space<vmem>> -> memref<1x128xi32, #tpu.memory_space<vmem>>
        %dma_wait3A_70 = tpu.memref_squeeze %dma_wait3A_69 : memref<1x128xi32, #tpu.memory_space<vmem>> -> memref<128xi32, #tpu.memory_space<vmem>>
        %dma_wait3A_71 = arith.constant 0 : i32
        %dma_wait3A_72 = arith.constant 0 : i32
        %dma_wait3A_73 = tpu.memref_slice %arg11[%dma_wait3A_71, %dma_wait3A_72] : memref<10240x128xf32, #tpu.memory_space<vmem_shared>> -> memref<10240x128xf32, #tpu.memory_space<vmem_shared>>
        tpu.wait_indirect_dma semaphore(%run_scoped3A : memref<!tpu.dma_semaphore, #tpu.memory_space<semaphore_mem>>) src(%arg9 : memref<128x128xf32, #tpu.memory_space<vmem>>) dst(%dma_wait3A_73 : memref<10240x128xf32, #tpu.memory_space<vmem_shared>>)
        tpu.yield
      }) : () -> ()
    }
    %scan3A_45 = arith.constant 79 : i32
    %barrier3A_46 = arith.constant 0 : index
    tpu.barrier barrier_id(%barrier3A_46)
    %mul3A_47 = arith.constant 640 : i32
    %mul3A_48 = arith.muli %arg1, %mul3A_47 : i32
    %mul3A_49 = arith.constant 640 : i32
    %mul3A_50 = arith.muli %arg1, %mul3A_49 : i32
    "tpu.region"() ({
      %run_scoped3A = tpu.sem_alloc : memref<!tpu.dma_semaphore, #tpu.memory_space<semaphore_mem>>
      %dma_start3A = arith.constant 0 : i32
      %dma_start3A_51 = tpu.memref_slice %arg6[%arg0, %mul3A_50, %dma_start3A] : memref<2x10240x128xf32, #tpu.memory_space<hbm>> -> memref<1x640x128xf32, #tpu.memory_space<hbm>>
      %dma_start3A_52 = tpu.memref_squeeze %dma_start3A_51 : memref<1x640x128xf32, #tpu.memory_space<hbm>> -> memref<640x128xf32, #tpu.memory_space<hbm>>
      %dma_start3A_53 = arith.constant 0 : i32
      %dma_start3A_54 = tpu.memref_slice %arg11[%mul3A_48, %dma_start3A_53] : memref<10240x128xf32, #tpu.memory_space<vmem_shared>> -> memref<640x128xf32, #tpu.memory_space<vmem_shared>>
      tpu.enqueue_dma source(%dma_start3A_54 : memref<640x128xf32, #tpu.memory_space<vmem_shared>>) target(%dma_start3A_52 : memref<640x128xf32, #tpu.memory_space<hbm>>) target_semaphore(%run_scoped3A : memref<!tpu.dma_semaphore, #tpu.memory_space<semaphore_mem>>)
      %dma_wait3A = arith.constant 0 : i32
      %dma_wait3A_55 = tpu.memref_slice %arg6[%arg0, %mul3A_50, %dma_wait3A] : memref<2x10240x128xf32, #tpu.memory_space<hbm>> -> memref<1x640x128xf32, #tpu.memory_space<hbm>>
      %dma_wait3A_56 = tpu.memref_squeeze %dma_wait3A_55 : memref<1x640x128xf32, #tpu.memory_space<hbm>> -> memref<640x128xf32, #tpu.memory_space<hbm>>
      %dma_wait3A_57 = arith.constant 0 : i32
      %dma_wait3A_58 = tpu.memref_slice %arg11[%mul3A_48, %dma_wait3A_57] : memref<10240x128xf32, #tpu.memory_space<vmem_shared>> -> memref<640x128xf32, #tpu.memory_space<vmem_shared>>
      tpu.wait_dma2 semaphore(%run_scoped3A : memref<!tpu.dma_semaphore, #tpu.memory_space<semaphore_mem>>) src(%dma_wait3A_58 : memref<640x128xf32, #tpu.memory_space<vmem_shared>>) dst(%dma_wait3A_56 : memref<640x128xf32, #tpu.memory_space<hbm>>)
      tpu.yield
    }) : () -> ()
    return
  }
}

#map = affine_map<(d0, d1) -> (0, 0)>
#map1 = affine_map<(d0, d1) -> (0, 0, 0)>
module attributes {stable_mosaic.version = 14 : i64} {
  func.func @run(%arg0: i32, %arg1: i32, %arg2: memref<80000x128xf32, #tpu.memory_space<hbm>>, %arg3: memref<32x79x128xi32, #tpu.memory_space<hbm>>, %arg4: memref<32x79x128xi32, #tpu.memory_space<hbm>>, %arg5: memref<64x128xf32, #tpu.memory_space<hbm>>, %arg6: memref<2x10240x128xf32, #tpu.memory_space<hbm>>, %arg7: memref<79x128xi32, #tpu.memory_space<vmem>>, %arg8: memref<79x128xi32, #tpu.memory_space<vmem>>, %arg9: memref<128x128xf32, #tpu.memory_space<vmem>>, %arg10: memref<64x128xf32, #tpu.memory_space<vmem>>, %arg11: memref<10240x128xf32, #tpu.memory_space<vmem_shared>>, %arg12: memref<!tpu.dma_semaphore, #tpu.memory_space<semaphore_mem>>) attributes {dimension_semantics = [#tpu.dimension_semantics<core_parallel>, #tpu.dimension_semantics<subcore_parallel>], iteration_bounds = array<i64: 2, 16>, scalar_prefetch = 0 : i64, scratch_operands = 6 : i64, tpu.core_type = #tpu.core_type<sc_vector_subcore>, window_params = [{transform_indices = #map}, {transform_indices = #map1}, {transform_indices = #map1}, {transform_indices = #map}, {transform_indices = #map1}]} {
    %mul3A = arith.constant 2 : i32
    %mul3A_0 = arith.muli %arg1, %mul3A : i32
    %add3A = arith.addi %mul3A_0, %arg0 : i32
    "tpu.region"() ({
      %run_scoped3A = tpu.sem_alloc : memref<!tpu.dma_semaphore, #tpu.memory_space<semaphore_mem>>
      tpu.enqueue_dma source(%arg5 : memref<64x128xf32, #tpu.memory_space<hbm>>) target(%arg10 : memref<64x128xf32, #tpu.memory_space<vmem>>) target_semaphore(%run_scoped3A : memref<!tpu.dma_semaphore, #tpu.memory_space<semaphore_mem>>)
      tpu.wait_dma2 semaphore(%run_scoped3A : memref<!tpu.dma_semaphore, #tpu.memory_space<semaphore_mem>>) src(%arg5 : memref<64x128xf32, #tpu.memory_space<hbm>>) dst(%arg10 : memref<64x128xf32, #tpu.memory_space<vmem>>)
      tpu.yield
    }) : () -> ()
    %mul3A_1 = arith.constant 640 : i32
    %mul3A_2 = arith.muli %arg1, %mul3A_1 : i32
    %add3A_3 = arith.constant 0 : i32
    %add3A_4 = arith.addi %mul3A_2, %add3A_3 : i32
    "tpu.region"() ({
      %run_scoped3A = tpu.sem_alloc : memref<!tpu.dma_semaphore, #tpu.memory_space<semaphore_mem>>
      %dma_start3A = arith.constant 0 : i32
      %dma_start3A_51 = tpu.memref_slice %arg11[%add3A_4, %dma_start3A] : memref<10240x128xf32, #tpu.memory_space<vmem_shared>> -> memref<64x128xf32, #tpu.memory_space<vmem_shared>>
      %dma_start3A_52 = arith.constant 0 : i32
      %dma_start3A_53 = tpu.memref_slice %arg11[%add3A_4, %dma_start3A_52] : memref<10240x128xf32, #tpu.memory_space<vmem_shared>> -> memref<64x128xf32, #tpu.memory_space<vmem_shared>>
      tpu.enqueue_dma source(%arg10 : memref<64x128xf32, #tpu.memory_space<vmem>>) target(%dma_start3A_53 : memref<64x128xf32, #tpu.memory_space<vmem_shared>>) target_semaphore(%run_scoped3A : memref<!tpu.dma_semaphore, #tpu.memory_space<semaphore_mem>>)
      %dma_wait3A = arith.constant 0 : i32
      %dma_wait3A_54 = tpu.memref_slice %arg11[%add3A_4, %dma_wait3A] : memref<10240x128xf32, #tpu.memory_space<vmem_shared>> -> memref<64x128xf32, #tpu.memory_space<vmem_shared>>
      %dma_wait3A_55 = arith.constant 0 : i32
      %dma_wait3A_56 = tpu.memref_slice %arg11[%add3A_4, %dma_wait3A_55] : memref<10240x128xf32, #tpu.memory_space<vmem_shared>> -> memref<64x128xf32, #tpu.memory_space<vmem_shared>>
      tpu.wait_dma2 semaphore(%run_scoped3A : memref<!tpu.dma_semaphore, #tpu.memory_space<semaphore_mem>>) src(%arg10 : memref<64x128xf32, #tpu.memory_space<vmem>>) dst(%dma_wait3A_56 : memref<64x128xf32, #tpu.memory_space<vmem_shared>>)
      tpu.yield
    }) : () -> ()
    %mul3A_5 = arith.constant 640 : i32
    %mul3A_6 = arith.muli %arg1, %mul3A_5 : i32
    %add3A_7 = arith.constant 64 : i32
    %add3A_8 = arith.addi %mul3A_6, %add3A_7 : i32
    "tpu.region"() ({
      %run_scoped3A = tpu.sem_alloc : memref<!tpu.dma_semaphore, #tpu.memory_space<semaphore_mem>>
      %dma_start3A = arith.constant 0 : i32
      %dma_start3A_51 = tpu.memref_slice %arg11[%add3A_8, %dma_start3A] : memref<10240x128xf32, #tpu.memory_space<vmem_shared>> -> memref<64x128xf32, #tpu.memory_space<vmem_shared>>
      %dma_start3A_52 = arith.constant 0 : i32
      %dma_start3A_53 = tpu.memref_slice %arg11[%add3A_8, %dma_start3A_52] : memref<10240x128xf32, #tpu.memory_space<vmem_shared>> -> memref<64x128xf32, #tpu.memory_space<vmem_shared>>
      tpu.enqueue_dma source(%arg10 : memref<64x128xf32, #tpu.memory_space<vmem>>) target(%dma_start3A_53 : memref<64x128xf32, #tpu.memory_space<vmem_shared>>) target_semaphore(%run_scoped3A : memref<!tpu.dma_semaphore, #tpu.memory_space<semaphore_mem>>)
      %dma_wait3A = arith.constant 0 : i32
      %dma_wait3A_54 = tpu.memref_slice %arg11[%add3A_8, %dma_wait3A] : memref<10240x128xf32, #tpu.memory_space<vmem_shared>> -> memref<64x128xf32, #tpu.memory_space<vmem_shared>>
      %dma_wait3A_55 = arith.constant 0 : i32
      %dma_wait3A_56 = tpu.memref_slice %arg11[%add3A_8, %dma_wait3A_55] : memref<10240x128xf32, #tpu.memory_space<vmem_shared>> -> memref<64x128xf32, #tpu.memory_space<vmem_shared>>
      tpu.wait_dma2 semaphore(%run_scoped3A : memref<!tpu.dma_semaphore, #tpu.memory_space<semaphore_mem>>) src(%arg10 : memref<64x128xf32, #tpu.memory_space<vmem>>) dst(%dma_wait3A_56 : memref<64x128xf32, #tpu.memory_space<vmem_shared>>)
      tpu.yield
    }) : () -> ()
    %mul3A_9 = arith.constant 640 : i32
    %mul3A_10 = arith.muli %arg1, %mul3A_9 : i32
    %add3A_11 = arith.constant 128 : i32
    %add3A_12 = arith.addi %mul3A_10, %add3A_11 : i32
    "tpu.region"() ({
      %run_scoped3A = tpu.sem_alloc : memref<!tpu.dma_semaphore, #tpu.memory_space<semaphore_mem>>
      %dma_start3A = arith.constant 0 : i32
      %dma_start3A_51 = tpu.memref_slice %arg11[%add3A_12, %dma_start3A] : memref<10240x128xf32, #tpu.memory_space<vmem_shared>> -> memref<64x128xf32, #tpu.memory_space<vmem_shared>>
      %dma_start3A_52 = arith.constant 0 : i32
      %dma_start3A_53 = tpu.memref_slice %arg11[%add3A_12, %dma_start3A_52] : memref<10240x128xf32, #tpu.memory_space<vmem_shared>> -> memref<64x128xf32, #tpu.memory_space<vmem_shared>>
      tpu.enqueue_dma source(%arg10 : memref<64x128xf32, #tpu.memory_space<vmem>>) target(%dma_start3A_53 : memref<64x128xf32, #tpu.memory_space<vmem_shared>>) target_semaphore(%run_scoped3A : memref<!tpu.dma_semaphore, #tpu.memory_space<semaphore_mem>>)
      %dma_wait3A = arith.constant 0 : i32
      %dma_wait3A_54 = tpu.memref_slice %arg11[%add3A_12, %dma_wait3A] : memref<10240x128xf32, #tpu.memory_space<vmem_shared>> -> memref<64x128xf32, #tpu.memory_space<vmem_shared>>
      %dma_wait3A_55 = arith.constant 0 : i32
      %dma_wait3A_56 = tpu.memref_slice %arg11[%add3A_12, %dma_wait3A_55] : memref<10240x128xf32, #tpu.memory_space<vmem_shared>> -> memref<64x128xf32, #tpu.memory_space<vmem_shared>>
      tpu.wait_dma2 semaphore(%run_scoped3A : memref<!tpu.dma_semaphore, #tpu.memory_space<semaphore_mem>>) src(%arg10 : memref<64x128xf32, #tpu.memory_space<vmem>>) dst(%dma_wait3A_56 : memref<64x128xf32, #tpu.memory_space<vmem_shared>>)
      tpu.yield
    }) : () -> ()
    %mul3A_13 = arith.constant 640 : i32
    %mul3A_14 = arith.muli %arg1, %mul3A_13 : i32
    %add3A_15 = arith.constant 192 : i32
    %add3A_16 = arith.addi %mul3A_14, %add3A_15 : i32
    "tpu.region"() ({
      %run_scoped3A = tpu.sem_alloc : memref<!tpu.dma_semaphore, #tpu.memory_space<semaphore_mem>>
      %dma_start3A = arith.constant 0 : i32
      %dma_start3A_51 = tpu.memref_slice %arg11[%add3A_16, %dma_start3A] : memref<10240x128xf32, #tpu.memory_space<vmem_shared>> -> memref<64x128xf32, #tpu.memory_space<vmem_shared>>
      %dma_start3A_52 = arith.constant 0 : i32
      %dma_start3A_53 = tpu.memref_slice %arg11[%add3A_16, %dma_start3A_52] : memref<10240x128xf32, #tpu.memory_space<vmem_shared>> -> memref<64x128xf32, #tpu.memory_space<vmem_shared>>
      tpu.enqueue_dma source(%arg10 : memref<64x128xf32, #tpu.memory_space<vmem>>) target(%dma_start3A_53 : memref<64x128xf32, #tpu.memory_space<vmem_shared>>) target_semaphore(%run_scoped3A : memref<!tpu.dma_semaphore, #tpu.memory_space<semaphore_mem>>)
      %dma_wait3A = arith.constant 0 : i32
      %dma_wait3A_54 = tpu.memref_slice %arg11[%add3A_16, %dma_wait3A] : memref<10240x128xf32, #tpu.memory_space<vmem_shared>> -> memref<64x128xf32, #tpu.memory_space<vmem_shared>>
      %dma_wait3A_55 = arith.constant 0 : i32
      %dma_wait3A_56 = tpu.memref_slice %arg11[%add3A_16, %dma_wait3A_55] : memref<10240x128xf32, #tpu.memory_space<vmem_shared>> -> memref<64x128xf32, #tpu.memory_space<vmem_shared>>
      tpu.wait_dma2 semaphore(%run_scoped3A : memref<!tpu.dma_semaphore, #tpu.memory_space<semaphore_mem>>) src(%arg10 : memref<64x128xf32, #tpu.memory_space<vmem>>) dst(%dma_wait3A_56 : memref<64x128xf32, #tpu.memory_space<vmem_shared>>)
      tpu.yield
    }) : () -> ()
    %mul3A_17 = arith.constant 640 : i32
    %mul3A_18 = arith.muli %arg1, %mul3A_17 : i32
    %add3A_19 = arith.constant 256 : i32
    %add3A_20 = arith.addi %mul3A_18, %add3A_19 : i32
    "tpu.region"() ({
      %run_scoped3A = tpu.sem_alloc : memref<!tpu.dma_semaphore, #tpu.memory_space<semaphore_mem>>
      %dma_start3A = arith.constant 0 : i32
      %dma_start3A_51 = tpu.memref_slice %arg11[%add3A_20, %dma_start3A] : memref<10240x128xf32, #tpu.memory_space<vmem_shared>> -> memref<64x128xf32, #tpu.memory_space<vmem_shared>>
      %dma_start3A_52 = arith.constant 0 : i32
      %dma_start3A_53 = tpu.memref_slice %arg11[%add3A_20, %dma_start3A_52] : memref<10240x128xf32, #tpu.memory_space<vmem_shared>> -> memref<64x128xf32, #tpu.memory_space<vmem_shared>>
      tpu.enqueue_dma source(%arg10 : memref<64x128xf32, #tpu.memory_space<vmem>>) target(%dma_start3A_53 : memref<64x128xf32, #tpu.memory_space<vmem_shared>>) target_semaphore(%run_scoped3A : memref<!tpu.dma_semaphore, #tpu.memory_space<semaphore_mem>>)
      %dma_wait3A = arith.constant 0 : i32
      %dma_wait3A_54 = tpu.memref_slice %arg11[%add3A_20, %dma_wait3A] : memref<10240x128xf32, #tpu.memory_space<vmem_shared>> -> memref<64x128xf32, #tpu.memory_space<vmem_shared>>
      %dma_wait3A_55 = arith.constant 0 : i32
      %dma_wait3A_56 = tpu.memref_slice %arg11[%add3A_20, %dma_wait3A_55] : memref<10240x128xf32, #tpu.memory_space<vmem_shared>> -> memref<64x128xf32, #tpu.memory_space<vmem_shared>>
      tpu.wait_dma2 semaphore(%run_scoped3A : memref<!tpu.dma_semaphore, #tpu.memory_space<semaphore_mem>>) src(%arg10 : memref<64x128xf32, #tpu.memory_space<vmem>>) dst(%dma_wait3A_56 : memref<64x128xf32, #tpu.memory_space<vmem_shared>>)
      tpu.yield
    }) : () -> ()
    %mul3A_21 = arith.constant 640 : i32
    %mul3A_22 = arith.muli %arg1, %mul3A_21 : i32
    %add3A_23 = arith.constant 320 : i32
    %add3A_24 = arith.addi %mul3A_22, %add3A_23 : i32
    "tpu.region"() ({
      %run_scoped3A = tpu.sem_alloc : memref<!tpu.dma_semaphore, #tpu.memory_space<semaphore_mem>>
      %dma_start3A = arith.constant 0 : i32
      %dma_start3A_51 = tpu.memref_slice %arg11[%add3A_24, %dma_start3A] : memref<10240x128xf32, #tpu.memory_space<vmem_shared>> -> memref<64x128xf32, #tpu.memory_space<vmem_shared>>
      %dma_start3A_52 = arith.constant 0 : i32
      %dma_start3A_53 = tpu.memref_slice %arg11[%add3A_24, %dma_start3A_52] : memref<10240x128xf32, #tpu.memory_space<vmem_shared>> -> memref<64x128xf32, #tpu.memory_space<vmem_shared>>
      tpu.enqueue_dma source(%arg10 : memref<64x128xf32, #tpu.memory_space<vmem>>) target(%dma_start3A_53 : memref<64x128xf32, #tpu.memory_space<vmem_shared>>) target_semaphore(%run_scoped3A : memref<!tpu.dma_semaphore, #tpu.memory_space<semaphore_mem>>)
      %dma_wait3A = arith.constant 0 : i32
      %dma_wait3A_54 = tpu.memref_slice %arg11[%add3A_24, %dma_wait3A] : memref<10240x128xf32, #tpu.memory_space<vmem_shared>> -> memref<64x128xf32, #tpu.memory_space<vmem_shared>>
      %dma_wait3A_55 = arith.constant 0 : i32
      %dma_wait3A_56 = tpu.memref_slice %arg11[%add3A_24, %dma_wait3A_55] : memref<10240x128xf32, #tpu.memory_space<vmem_shared>> -> memref<64x128xf32, #tpu.memory_space<vmem_shared>>
      tpu.wait_dma2 semaphore(%run_scoped3A : memref<!tpu.dma_semaphore, #tpu.memory_space<semaphore_mem>>) src(%arg10 : memref<64x128xf32, #tpu.memory_space<vmem>>) dst(%dma_wait3A_56 : memref<64x128xf32, #tpu.memory_space<vmem_shared>>)
      tpu.yield
    }) : () -> ()
    %mul3A_25 = arith.constant 640 : i32
    %mul3A_26 = arith.muli %arg1, %mul3A_25 : i32
    %add3A_27 = arith.constant 384 : i32
    %add3A_28 = arith.addi %mul3A_26, %add3A_27 : i32
    "tpu.region"() ({
      %run_scoped3A = tpu.sem_alloc : memref<!tpu.dma_semaphore, #tpu.memory_space<semaphore_mem>>
      %dma_start3A = arith.constant 0 : i32
      %dma_start3A_51 = tpu.memref_slice %arg11[%add3A_28, %dma_start3A] : memref<10240x128xf32, #tpu.memory_space<vmem_shared>> -> memref<64x128xf32, #tpu.memory_space<vmem_shared>>
      %dma_start3A_52 = arith.constant 0 : i32
      %dma_start3A_53 = tpu.memref_slice %arg11[%add3A_28, %dma_start3A_52] : memref<10240x128xf32, #tpu.memory_space<vmem_shared>> -> memref<64x128xf32, #tpu.memory_space<vmem_shared>>
      tpu.enqueue_dma source(%arg10 : memref<64x128xf32, #tpu.memory_space<vmem>>) target(%dma_start3A_53 : memref<64x128xf32, #tpu.memory_space<vmem_shared>>) target_semaphore(%run_scoped3A : memref<!tpu.dma_semaphore, #tpu.memory_space<semaphore_mem>>)
      %dma_wait3A = arith.constant 0 : i32
      %dma_wait3A_54 = tpu.memref_slice %arg11[%add3A_28, %dma_wait3A] : memref<10240x128xf32, #tpu.memory_space<vmem_shared>> -> memref<64x128xf32, #tpu.memory_space<vmem_shared>>
      %dma_wait3A_55 = arith.constant 0 : i32
      %dma_wait3A_56 = tpu.memref_slice %arg11[%add3A_28, %dma_wait3A_55] : memref<10240x128xf32, #tpu.memory_space<vmem_shared>> -> memref<64x128xf32, #tpu.memory_space<vmem_shared>>
      tpu.wait_dma2 semaphore(%run_scoped3A : memref<!tpu.dma_semaphore, #tpu.memory_space<semaphore_mem>>) src(%arg10 : memref<64x128xf32, #tpu.memory_space<vmem>>) dst(%dma_wait3A_56 : memref<64x128xf32, #tpu.memory_space<vmem_shared>>)
      tpu.yield
    }) : () -> ()
    %mul3A_29 = arith.constant 640 : i32
    %mul3A_30 = arith.muli %arg1, %mul3A_29 : i32
    %add3A_31 = arith.constant 448 : i32
    %add3A_32 = arith.addi %mul3A_30, %add3A_31 : i32
    "tpu.region"() ({
      %run_scoped3A = tpu.sem_alloc : memref<!tpu.dma_semaphore, #tpu.memory_space<semaphore_mem>>
      %dma_start3A = arith.constant 0 : i32
      %dma_start3A_51 = tpu.memref_slice %arg11[%add3A_32, %dma_start3A] : memref<10240x128xf32, #tpu.memory_space<vmem_shared>> -> memref<64x128xf32, #tpu.memory_space<vmem_shared>>
      %dma_start3A_52 = arith.constant 0 : i32
      %dma_start3A_53 = tpu.memref_slice %arg11[%add3A_32, %dma_start3A_52] : memref<10240x128xf32, #tpu.memory_space<vmem_shared>> -> memref<64x128xf32, #tpu.memory_space<vmem_shared>>
      tpu.enqueue_dma source(%arg10 : memref<64x128xf32, #tpu.memory_space<vmem>>) target(%dma_start3A_53 : memref<64x128xf32, #tpu.memory_space<vmem_shared>>) target_semaphore(%run_scoped3A : memref<!tpu.dma_semaphore, #tpu.memory_space<semaphore_mem>>)
      %dma_wait3A = arith.constant 0 : i32
      %dma_wait3A_54 = tpu.memref_slice %arg11[%add3A_32, %dma_wait3A] : memref<10240x128xf32, #tpu.memory_space<vmem_shared>> -> memref<64x128xf32, #tpu.memory_space<vmem_shared>>
      %dma_wait3A_55 = arith.constant 0 : i32
      %dma_wait3A_56 = tpu.memref_slice %arg11[%add3A_32, %dma_wait3A_55] : memref<10240x128xf32, #tpu.memory_space<vmem_shared>> -> memref<64x128xf32, #tpu.memory_space<vmem_shared>>
      tpu.wait_dma2 semaphore(%run_scoped3A : memref<!tpu.dma_semaphore, #tpu.memory_space<semaphore_mem>>) src(%arg10 : memref<64x128xf32, #tpu.memory_space<vmem>>) dst(%dma_wait3A_56 : memref<64x128xf32, #tpu.memory_space<vmem_shared>>)
      tpu.yield
    }) : () -> ()
    %mul3A_33 = arith.constant 640 : i32
    %mul3A_34 = arith.muli %arg1, %mul3A_33 : i32
    %add3A_35 = arith.constant 512 : i32
    %add3A_36 = arith.addi %mul3A_34, %add3A_35 : i32
    "tpu.region"() ({
      %run_scoped3A = tpu.sem_alloc : memref<!tpu.dma_semaphore, #tpu.memory_space<semaphore_mem>>
      %dma_start3A = arith.constant 0 : i32
      %dma_start3A_51 = tpu.memref_slice %arg11[%add3A_36, %dma_start3A] : memref<10240x128xf32, #tpu.memory_space<vmem_shared>> -> memref<64x128xf32, #tpu.memory_space<vmem_shared>>
      %dma_start3A_52 = arith.constant 0 : i32
      %dma_start3A_53 = tpu.memref_slice %arg11[%add3A_36, %dma_start3A_52] : memref<10240x128xf32, #tpu.memory_space<vmem_shared>> -> memref<64x128xf32, #tpu.memory_space<vmem_shared>>
      tpu.enqueue_dma source(%arg10 : memref<64x128xf32, #tpu.memory_space<vmem>>) target(%dma_start3A_53 : memref<64x128xf32, #tpu.memory_space<vmem_shared>>) target_semaphore(%run_scoped3A : memref<!tpu.dma_semaphore, #tpu.memory_space<semaphore_mem>>)
      %dma_wait3A = arith.constant 0 : i32
      %dma_wait3A_54 = tpu.memref_slice %arg11[%add3A_36, %dma_wait3A] : memref<10240x128xf32, #tpu.memory_space<vmem_shared>> -> memref<64x128xf32, #tpu.memory_space<vmem_shared>>
      %dma_wait3A_55 = arith.constant 0 : i32
      %dma_wait3A_56 = tpu.memref_slice %arg11[%add3A_36, %dma_wait3A_55] : memref<10240x128xf32, #tpu.memory_space<vmem_shared>> -> memref<64x128xf32, #tpu.memory_space<vmem_shared>>
      tpu.wait_dma2 semaphore(%run_scoped3A : memref<!tpu.dma_semaphore, #tpu.memory_space<semaphore_mem>>) src(%arg10 : memref<64x128xf32, #tpu.memory_space<vmem>>) dst(%dma_wait3A_56 : memref<64x128xf32, #tpu.memory_space<vmem_shared>>)
      tpu.yield
    }) : () -> ()
    %mul3A_37 = arith.constant 640 : i32
    %mul3A_38 = arith.muli %arg1, %mul3A_37 : i32
    %add3A_39 = arith.constant 576 : i32
    %add3A_40 = arith.addi %mul3A_38, %add3A_39 : i32
    "tpu.region"() ({
      %run_scoped3A = tpu.sem_alloc : memref<!tpu.dma_semaphore, #tpu.memory_space<semaphore_mem>>
      %dma_start3A = arith.constant 0 : i32
      %dma_start3A_51 = tpu.memref_slice %arg11[%add3A_40, %dma_start3A] : memref<10240x128xf32, #tpu.memory_space<vmem_shared>> -> memref<64x128xf32, #tpu.memory_space<vmem_shared>>
      %dma_start3A_52 = arith.constant 0 : i32
      %dma_start3A_53 = tpu.memref_slice %arg11[%add3A_40, %dma_start3A_52] : memref<10240x128xf32, #tpu.memory_space<vmem_shared>> -> memref<64x128xf32, #tpu.memory_space<vmem_shared>>
      tpu.enqueue_dma source(%arg10 : memref<64x128xf32, #tpu.memory_space<vmem>>) target(%dma_start3A_53 : memref<64x128xf32, #tpu.memory_space<vmem_shared>>) target_semaphore(%run_scoped3A : memref<!tpu.dma_semaphore, #tpu.memory_space<semaphore_mem>>)
      %dma_wait3A = arith.constant 0 : i32
      %dma_wait3A_54 = tpu.memref_slice %arg11[%add3A_40, %dma_wait3A] : memref<10240x128xf32, #tpu.memory_space<vmem_shared>> -> memref<64x128xf32, #tpu.memory_space<vmem_shared>>
      %dma_wait3A_55 = arith.constant 0 : i32
      %dma_wait3A_56 = tpu.memref_slice %arg11[%add3A_40, %dma_wait3A_55] : memref<10240x128xf32, #tpu.memory_space<vmem_shared>> -> memref<64x128xf32, #tpu.memory_space<vmem_shared>>
      tpu.wait_dma2 semaphore(%run_scoped3A : memref<!tpu.dma_semaphore, #tpu.memory_space<semaphore_mem>>) src(%arg10 : memref<64x128xf32, #tpu.memory_space<vmem>>) dst(%dma_wait3A_56 : memref<64x128xf32, #tpu.memory_space<vmem_shared>>)
      tpu.yield
    }) : () -> ()
    "tpu.region"() ({
      %run_scoped3A = tpu.sem_alloc : memref<!tpu.dma_semaphore, #tpu.memory_space<semaphore_mem>>
      %dma_start3A = arith.constant 0 : i32
      %dma_start3A_51 = arith.constant 0 : i32
      %dma_start3A_52 = tpu.memref_slice %arg3[%add3A, %dma_start3A, %dma_start3A_51] : memref<32x79x128xi32, #tpu.memory_space<hbm>> -> memref<1x79x128xi32, #tpu.memory_space<hbm>>
      %dma_start3A_53 = tpu.memref_squeeze %dma_start3A_52 : memref<1x79x128xi32, #tpu.memory_space<hbm>> -> memref<79x128xi32, #tpu.memory_space<hbm>>
      %dma_start3A_54 = arith.constant 0 : i32
      %dma_start3A_55 = arith.constant 0 : i32
      %dma_start3A_56 = tpu.memref_slice %arg3[%add3A, %dma_start3A_54, %dma_start3A_55] : memref<32x79x128xi32, #tpu.memory_space<hbm>> -> memref<1x79x128xi32, #tpu.memory_space<hbm>>
      %dma_start3A_57 = tpu.memref_squeeze %dma_start3A_56 : memref<1x79x128xi32, #tpu.memory_space<hbm>> -> memref<79x128xi32, #tpu.memory_space<hbm>>
      tpu.enqueue_dma source(%dma_start3A_57 : memref<79x128xi32, #tpu.memory_space<hbm>>) target(%arg7 : memref<79x128xi32, #tpu.memory_space<vmem>>) target_semaphore(%run_scoped3A : memref<!tpu.dma_semaphore, #tpu.memory_space<semaphore_mem>>)
      %dma_wait3A = arith.constant 0 : i32
      %dma_wait3A_58 = arith.constant 0 : i32
      %dma_wait3A_59 = tpu.memref_slice %arg3[%add3A, %dma_wait3A, %dma_wait3A_58] : memref<32x79x128xi32, #tpu.memory_space<hbm>> -> memref<1x79x128xi32, #tpu.memory_space<hbm>>
      %dma_wait3A_60 = tpu.memref_squeeze %dma_wait3A_59 : memref<1x79x128xi32, #tpu.memory_space<hbm>> -> memref<79x128xi32, #tpu.memory_space<hbm>>
      %dma_wait3A_61 = arith.constant 0 : i32
      %dma_wait3A_62 = arith.constant 0 : i32
      %dma_wait3A_63 = tpu.memref_slice %arg3[%add3A, %dma_wait3A_61, %dma_wait3A_62] : memref<32x79x128xi32, #tpu.memory_space<hbm>> -> memref<1x79x128xi32, #tpu.memory_space<hbm>>
      %dma_wait3A_64 = tpu.memref_squeeze %dma_wait3A_63 : memref<1x79x128xi32, #tpu.memory_space<hbm>> -> memref<79x128xi32, #tpu.memory_space<hbm>>
      tpu.wait_dma2 semaphore(%run_scoped3A : memref<!tpu.dma_semaphore, #tpu.memory_space<semaphore_mem>>) src(%dma_wait3A_64 : memref<79x128xi32, #tpu.memory_space<hbm>>) dst(%arg7 : memref<79x128xi32, #tpu.memory_space<vmem>>)
      tpu.yield
    }) : () -> ()
    "tpu.region"() ({
      %run_scoped3A = tpu.sem_alloc : memref<!tpu.dma_semaphore, #tpu.memory_space<semaphore_mem>>
      %dma_start3A = arith.constant 0 : i32
      %dma_start3A_51 = arith.constant 0 : i32
      %dma_start3A_52 = tpu.memref_slice %arg4[%add3A, %dma_start3A, %dma_start3A_51] : memref<32x79x128xi32, #tpu.memory_space<hbm>> -> memref<1x79x128xi32, #tpu.memory_space<hbm>>
      %dma_start3A_53 = tpu.memref_squeeze %dma_start3A_52 : memref<1x79x128xi32, #tpu.memory_space<hbm>> -> memref<79x128xi32, #tpu.memory_space<hbm>>
      %dma_start3A_54 = arith.constant 0 : i32
      %dma_start3A_55 = arith.constant 0 : i32
      %dma_start3A_56 = tpu.memref_slice %arg4[%add3A, %dma_start3A_54, %dma_start3A_55] : memref<32x79x128xi32, #tpu.memory_space<hbm>> -> memref<1x79x128xi32, #tpu.memory_space<hbm>>
      %dma_start3A_57 = tpu.memref_squeeze %dma_start3A_56 : memref<1x79x128xi32, #tpu.memory_space<hbm>> -> memref<79x128xi32, #tpu.memory_space<hbm>>
      tpu.enqueue_dma source(%dma_start3A_57 : memref<79x128xi32, #tpu.memory_space<hbm>>) target(%arg8 : memref<79x128xi32, #tpu.memory_space<vmem>>) target_semaphore(%run_scoped3A : memref<!tpu.dma_semaphore, #tpu.memory_space<semaphore_mem>>)
      %dma_wait3A = arith.constant 0 : i32
      %dma_wait3A_58 = arith.constant 0 : i32
      %dma_wait3A_59 = tpu.memref_slice %arg4[%add3A, %dma_wait3A, %dma_wait3A_58] : memref<32x79x128xi32, #tpu.memory_space<hbm>> -> memref<1x79x128xi32, #tpu.memory_space<hbm>>
      %dma_wait3A_60 = tpu.memref_squeeze %dma_wait3A_59 : memref<1x79x128xi32, #tpu.memory_space<hbm>> -> memref<79x128xi32, #tpu.memory_space<hbm>>
      %dma_wait3A_61 = arith.constant 0 : i32
      %dma_wait3A_62 = arith.constant 0 : i32
      %dma_wait3A_63 = tpu.memref_slice %arg4[%add3A, %dma_wait3A_61, %dma_wait3A_62] : memref<32x79x128xi32, #tpu.memory_space<hbm>> -> memref<1x79x128xi32, #tpu.memory_space<hbm>>
      %dma_wait3A_64 = tpu.memref_squeeze %dma_wait3A_63 : memref<1x79x128xi32, #tpu.memory_space<hbm>> -> memref<79x128xi32, #tpu.memory_space<hbm>>
      tpu.wait_dma2 semaphore(%run_scoped3A : memref<!tpu.dma_semaphore, #tpu.memory_space<semaphore_mem>>) src(%dma_wait3A_64 : memref<79x128xi32, #tpu.memory_space<hbm>>) dst(%arg8 : memref<79x128xi32, #tpu.memory_space<vmem>>)
      tpu.yield
    }) : () -> ()
    %barrier3A = arith.constant 0 : index
    tpu.barrier barrier_id(%barrier3A)
    %scan3A = arith.constant 0 : i32
    %scan3A_41 = arith.constant 0 : i32
    %scan3A_42 = arith.constant 79 : i32
    %scan3A_43 = arith.addi %scan3A_41, %scan3A_42 : i32
    %scan3A_44 = arith.constant 1 : i32
    scf.for %scan3A_51 = %scan3A_41 to %scan3A_43 step %scan3A_44  : i32 {
      %dma_start3A = arith.constant 0 : i32
      %dma_start3A_52 = tpu.memref_slice %arg7[%scan3A_51, %dma_start3A] : memref<79x128xi32, #tpu.memory_space<vmem>> -> memref<1x128xi32, #tpu.memory_space<vmem>>
      %dma_start3A_53 = tpu.memref_squeeze %dma_start3A_52 : memref<1x128xi32, #tpu.memory_space<vmem>> -> memref<128xi32, #tpu.memory_space<vmem>>
      %dma_start3A_54 = arith.constant 0 : i32
      %dma_start3A_55 = arith.constant 0 : i32
      %dma_start3A_56 = tpu.memref_slice %arg2[%dma_start3A_54, %dma_start3A_55] : memref<80000x128xf32, #tpu.memory_space<hbm>> -> memref<80000x128xf32, #tpu.memory_space<hbm>>
      tpu.enqueue_indirect_dma source(%dma_start3A_56 : memref<80000x128xf32, #tpu.memory_space<hbm>>) target(%arg9 : memref<128x128xf32, #tpu.memory_space<vmem>>) offsets(%dma_start3A_53 : memref<128xi32, #tpu.memory_space<vmem>>) semaphore(%arg12 : memref<!tpu.dma_semaphore, #tpu.memory_space<semaphore_mem>>)
      %dma_wait3A = arith.constant 0 : i32
      %dma_wait3A_57 = tpu.memref_slice %arg7[%scan3A_51, %dma_wait3A] : memref<79x128xi32, #tpu.memory_space<vmem>> -> memref<1x128xi32, #tpu.memory_space<vmem>>
      %dma_wait3A_58 = tpu.memref_squeeze %dma_wait3A_57 : memref<1x128xi32, #tpu.memory_space<vmem>> -> memref<128xi32, #tpu.memory_space<vmem>>
      %dma_wait3A_59 = arith.constant 0 : i32
      %dma_wait3A_60 = arith.constant 0 : i32
      %dma_wait3A_61 = tpu.memref_slice %arg2[%dma_wait3A_59, %dma_wait3A_60] : memref<80000x128xf32, #tpu.memory_space<hbm>> -> memref<80000x128xf32, #tpu.memory_space<hbm>>
      tpu.wait_indirect_dma semaphore(%arg12 : memref<!tpu.dma_semaphore, #tpu.memory_space<semaphore_mem>>) src(%dma_wait3A_61 : memref<80000x128xf32, #tpu.memory_space<hbm>>) dst(%arg9 : memref<128x128xf32, #tpu.memory_space<vmem>>)
      "tpu.region"() ({
        %run_scoped3A = tpu.sem_alloc : memref<!tpu.dma_semaphore, #tpu.memory_space<semaphore_mem>>
        %dma_start3A_62 = arith.constant 0 : i32
        %dma_start3A_63 = tpu.memref_slice %arg8[%scan3A_51, %dma_start3A_62] : memref<79x128xi32, #tpu.memory_space<vmem>> -> memref<1x128xi32, #tpu.memory_space<vmem>>
        %dma_start3A_64 = tpu.memref_squeeze %dma_start3A_63 : memref<1x128xi32, #tpu.memory_space<vmem>> -> memref<128xi32, #tpu.memory_space<vmem>>
        %dma_start3A_65 = arith.constant 0 : i32
        %dma_start3A_66 = arith.constant 0 : i32
        %dma_start3A_67 = tpu.memref_slice %arg11[%dma_start3A_65, %dma_start3A_66] : memref<10240x128xf32, #tpu.memory_space<vmem_shared>> -> memref<10240x128xf32, #tpu.memory_space<vmem_shared>>
        tpu.enqueue_indirect_dma source(%arg9 : memref<128x128xf32, #tpu.memory_space<vmem>>) target(%dma_start3A_67 : memref<10240x128xf32, #tpu.memory_space<vmem_shared>>) offsets(%dma_start3A_64 : memref<128xi32, #tpu.memory_space<vmem>>) semaphore(%run_scoped3A : memref<!tpu.dma_semaphore, #tpu.memory_space<semaphore_mem>>) {add = true}
        %dma_wait3A_68 = arith.constant 0 : i32
        %dma_wait3A_69 = tpu.memref_slice %arg8[%scan3A_51, %dma_wait3A_68] : memref<79x128xi32, #tpu.memory_space<vmem>> -> memref<1x128xi32, #tpu.memory_space<vmem>>
        %dma_wait3A_70 = tpu.memref_squeeze %dma_wait3A_69 : memref<1x128xi32, #tpu.memory_space<vmem>> -> memref<128xi32, #tpu.memory_space<vmem>>
        %dma_wait3A_71 = arith.constant 0 : i32
        %dma_wait3A_72 = arith.constant 0 : i32
        %dma_wait3A_73 = tpu.memref_slice %arg11[%dma_wait3A_71, %dma_wait3A_72] : memref<10240x128xf32, #tpu.memory_space<vmem_shared>> -> memref<10240x128xf32, #tpu.memory_space<vmem_shared>>
        tpu.wait_indirect_dma semaphore(%run_scoped3A : memref<!tpu.dma_semaphore, #tpu.memory_space<semaphore_mem>>) src(%arg9 : memref<128x128xf32, #tpu.memory_space<vmem>>) dst(%dma_wait3A_73 : memref<10240x128xf32, #tpu.memory_space<vmem_shared>>)
        tpu.yield
      }) : () -> ()
    }
    %scan3A_45 = arith.constant 79 : i32
    %barrier3A_46 = arith.constant 0 : index
    tpu.barrier barrier_id(%barrier3A_46)
    %mul3A_47 = arith.constant 640 : i32
    %mul3A_48 = arith.muli %arg1, %mul3A_47 : i32
    %mul3A_49 = arith.constant 640 : i32
    %mul3A_50 = arith.muli %arg1, %mul3A_49 : i32
    "tpu.region"() ({
      %run_scoped3A = tpu.sem_alloc : memref<!tpu.dma_semaphore, #tpu.memory_space<semaphore_mem>>
      %dma_start3A = arith.constant 0 : i32
      %dma_start3A_51 = tpu.memref_slice %arg6[%arg0, %mul3A_50, %dma_start3A] : memref<2x10240x128xf32, #tpu.memory_space<hbm>> -> memref<1x640x128xf32, #tpu.memory_space<hbm>>
      %dma_start3A_52 = tpu.memref_squeeze %dma_start3A_51 : memref<1x640x128xf32, #tpu.memory_space<hbm>> -> memref<640x128xf32, #tpu.memory_space<hbm>>
      %dma_start3A_53 = arith.constant 0 : i32
      %dma_start3A_54 = tpu.memref_slice %arg11[%mul3A_48, %dma_start3A_53] : memref<10240x128xf32, #tpu.memory_space<vmem_shared>> -> memref<640x128xf32, #tpu.memory_space<vmem_shared>>
      tpu.enqueue_dma source(%dma_start3A_54 : memref<640x128xf32, #tpu.memory_space<vmem_shared>>) target(%dma_start3A_52 : memref<640x128xf32, #tpu.memory_space<hbm>>) target_semaphore(%run_scoped3A : memref<!tpu.dma_semaphore, #tpu.memory_space<semaphore_mem>>)
      %dma_wait3A = arith.constant 0 : i32
      %dma_wait3A_55 = tpu.memref_slice %arg6[%arg0, %mul3A_50, %dma_wait3A] : memref<2x10240x128xf32, #tpu.memory_space<hbm>> -> memref<1x640x128xf32, #tpu.memory_space<hbm>>
      %dma_wait3A_56 = tpu.memref_squeeze %dma_wait3A_55 : memref<1x640x128xf32, #tpu.memory_space<hbm>> -> memref<640x128xf32, #tpu.memory_space<hbm>>
      %dma_wait3A_57 = arith.constant 0 : i32
      %dma_wait3A_58 = tpu.memref_slice %arg11[%mul3A_48, %dma_wait3A_57] : memref<10240x128xf32, #tpu.memory_space<vmem_shared>> -> memref<640x128xf32, #tpu.memory_space<vmem_shared>>
      tpu.wait_dma2 semaphore(%run_scoped3A : memref<!tpu.dma_semaphore, #tpu.memory_space<semaphore_mem>>) src(%dma_wait3A_58 : memref<640x128xf32, #tpu.memory_space<vmem_shared>>) dst(%dma_wait3A_56 : memref<640x128xf32, #tpu.memory_space<hbm>>)
      tpu.yield
    }) : () -> ()
    return
  }
}

module attributes {stable_mosaic.version = 14 : i64} {
  func.func @body(%arg0: i32, %arg1: memref<10000x128xf32, #tpu.memory_space<vmem>>, %arg2: memref<1x128x128xf32, #tpu.memory_space<vmem>>, %arg3: memref<1x128xf32, #tpu.memory_space<vmem>>, %arg4: memref<1x10000x128xf32, #tpu.memory_space<vmem>>) attributes {dimension_semantics = [#tpu.dimension_semantics<arbitrary>], iteration_bounds = array<i64: 8>, scalar_prefetch = 0 : i64, scratch_operands = 0 : i64, tpu.core_type = #tpu.core_type<tc>, window_params = [{pipeline_mode = #tpu.pipeline_mode<synchronous>, transform_indices = @transform_0, window_bounds = array<i64: 10000, 128>}, {transform_indices = @transform_1, window_bounds = array<i64: 1, 128, 128>}, {pipeline_mode = #tpu.pipeline_mode<synchronous>, transform_indices = @transform_2, window_bounds = array<i64: 1, 128>}, {transform_indices = @transform_3, window_bounds = array<i64: 1, 10000, 128>}]} {
    %get3A = arith.constant 0 : index
    %get3A_0 = arith.constant 0 : index
    %get3A_1 = vector.load %arg1[%get3A, %get3A_0] : memref<10000x128xf32, #tpu.memory_space<vmem>>, vector<10000x128xf32>
    %get3A_2 = arith.constant 0 : index
    %get3A_3 = arith.constant 0 : index
    %get3A_4 = arith.constant 0 : index
    %get3A_5 = vector.load %arg2[%get3A_2, %get3A_3, %get3A_4] : memref<1x128x128xf32, #tpu.memory_space<vmem>>, vector<1x128x128xf32>
    %get3A_6 = vector.shape_cast %get3A_5 : vector<1x128x128xf32> to vector<128x128xf32>
    %dot_general3A = arith.constant dense<0.000000e+00> : vector<10000x128xf32>
    %dot_general3A_7 = tpu.matmul %get3A_1, %get3A_6, %dot_general3A {dimension_numbers = #tpu.dot_dimension_numbers<[1], [0], [0], [1], [0, 0, 1, 1], [], []>, transpose_lhs_hint = false} : vector<10000x128xf32>, vector<128x128xf32>, vector<10000x128xf32> -> vector<10000x128xf32>
    %get3A_8 = arith.constant 0 : index
    %get3A_9 = arith.constant 0 : index
    %get3A_10 = vector.load %arg3[%get3A_8, %get3A_9] : memref<1x128xf32, #tpu.memory_space<vmem>>, vector<1x128xf32>
    %add3A = vector.broadcast %get3A_10 : vector<1x128xf32> to vector<10000x128xf32>
    %add3A_11 = arith.addf %dot_general3A_7, %add3A : vector<10000x128xf32>
    %max3A = arith.constant 0.000000e+00 : f32
    %max3A_12 = vector.broadcast %max3A : f32 to vector<10000x128xf32>
    %max3A_13 = arith.maximumf %add3A_11, %max3A_12 : vector<10000x128xf32>
    %swap3A = arith.constant 0 : index
    %swap3A_14 = arith.constant 0 : index
    %swap3A_15 = arith.constant 0 : index
    %swap3A_16 = vector.load %arg4[%swap3A, %swap3A_14, %swap3A_15] : memref<1x10000x128xf32, #tpu.memory_space<vmem>>, vector<1x10000x128xf32>
    %swap3A_17 = vector.shape_cast %swap3A_16 : vector<1x10000x128xf32> to vector<10000x128xf32>
    %swap3A_18 = vector.shape_cast %max3A_13 : vector<10000x128xf32> to vector<1x10000x128xf32>
    tpu.vector_store %arg4[%swap3A, %swap3A_14, %swap3A_15], %swap3A_18 {strides = array<i32>} : memref<1x10000x128xf32, #tpu.memory_space<vmem>>, vector<1x10000x128xf32>,
    return
  }
  func.func @transform_0(%arg0: i32) -> (i32, i32) {
    %c0_i32 = arith.constant 0 : i32
    %c0_i32_0 = arith.constant 0 : i32
    %c0_i32_1 = arith.constant 0 : i32
    return %c0_i32, %c0_i32_0 : i32, i32
  }
  func.func @transform_1(%arg0: i32) -> (i32, i32, i32) {
    %c0_i32 = arith.constant 0 : i32
    %c0_i32_0 = arith.constant 0 : i32
    %c0_i32_1 = arith.constant 0 : i32
    return %arg0, %c0_i32, %c0_i32_0 : i32, i32, i32
  }
  func.func @transform_2(%arg0: i32) -> (i32, i32) {
    %c0_i32 = arith.constant 0 : i32
    %c0_i32_0 = arith.constant 0 : i32
    %c0_i32_1 = arith.constant 0 : i32
    return %c0_i32, %c0_i32_0 : i32, i32
  }
  func.func @transform_3(%arg0: i32) -> (i32, i32, i32) {
    %c0_i32 = arith.constant 0 : i32
    %c0_i32_0 = arith.constant 0 : i32
    %c0_i32_1 = arith.constant 0 : i32
    return %arg0, %c0_i32, %c0_i32_0 : i32, i32, i32
  }
}

module attributes {stable_mosaic.version = 14 : i64} {
  func.func @body(%arg0: i32, %arg1: memref<2x10000x128xf32, #tpu.memory_space<vmem>>, %arg2: memref<1x128x128xf32, #tpu.memory_space<vmem>>, %arg3: memref<1x128xf32, #tpu.memory_space<vmem>>, %arg4: memref<1x10000x128xf32, #tpu.memory_space<vmem>>) attributes {dimension_semantics = [#tpu.dimension_semantics<arbitrary>], iteration_bounds = array<i64: 8>, scalar_prefetch = 0 : i64, scratch_operands = 0 : i64, tpu.core_type = #tpu.core_type<tc>, window_params = [{transform_indices = @transform_0, window_bounds = array<i64: 2, 10000, 128>}, {transform_indices = @transform_1, window_bounds = array<i64: 1, 128, 128>}, {pipeline_mode = #tpu.pipeline_mode<synchronous>, transform_indices = @transform_2, window_bounds = array<i64: 1, 128>}, {transform_indices = @transform_3, window_bounds = array<i64: 1, 10000, 128>}]} {
    %get3A = arith.constant 0 : index
    %get3A_0 = arith.constant 0 : index
    %get3A_1 = arith.constant 0 : index
    %get3A_2 = vector.load %arg1[%get3A, %get3A_0, %get3A_1] : memref<2x10000x128xf32, #tpu.memory_space<vmem>>, vector<1x10000x128xf32>
    %get3A_3 = vector.shape_cast %get3A_2 : vector<1x10000x128xf32> to vector<10000x128xf32>
    %get3A_4 = arith.constant 1 : index
    %get3A_5 = arith.constant 0 : index
    %get3A_6 = arith.constant 0 : index
    %get3A_7 = vector.load %arg1[%get3A_4, %get3A_5, %get3A_6] : memref<2x10000x128xf32, #tpu.memory_space<vmem>>, vector<1x10000x128xf32>
    %get3A_8 = vector.shape_cast %get3A_7 : vector<1x10000x128xf32> to vector<10000x128xf32>
    %add3A = arith.addf %get3A_3, %get3A_8 : vector<10000x128xf32>
    %get3A_9 = arith.constant 0 : index
    %get3A_10 = arith.constant 0 : index
    %get3A_11 = arith.constant 0 : index
    %get3A_12 = vector.load %arg2[%get3A_9, %get3A_10, %get3A_11] : memref<1x128x128xf32, #tpu.memory_space<vmem>>, vector<1x128x128xf32>
    %get3A_13 = vector.shape_cast %get3A_12 : vector<1x128x128xf32> to vector<128x128xf32>
    %dot_general3A = arith.constant dense<0.000000e+00> : vector<10000x128xf32>
    %dot_general3A_14 = tpu.matmul %add3A, %get3A_13, %dot_general3A {dimension_numbers = #tpu.dot_dimension_numbers<[1], [0], [0], [1], [0, 0, 1, 1], [], []>, transpose_lhs_hint = false} : vector<10000x128xf32>, vector<128x128xf32>, vector<10000x128xf32> -> vector<10000x128xf32>
    %get3A_15 = arith.constant 0 : index
    %get3A_16 = arith.constant 0 : index
    %get3A_17 = vector.load %arg3[%get3A_15, %get3A_16] : memref<1x128xf32, #tpu.memory_space<vmem>>, vector<1x128xf32>
    %add3A_18 = vector.broadcast %get3A_17 : vector<1x128xf32> to vector<10000x128xf32>
    %add3A_19 = arith.addf %dot_general3A_14, %add3A_18 : vector<10000x128xf32>
    %max3A = arith.constant 0.000000e+00 : f32
    %max3A_20 = vector.broadcast %max3A : f32 to vector<10000x128xf32>
    %max3A_21 = arith.maximumf %add3A_19, %max3A_20 : vector<10000x128xf32>
    %swap3A = arith.constant 0 : index
    %swap3A_22 = arith.constant 0 : index
    %swap3A_23 = arith.constant 0 : index
    %swap3A_24 = vector.load %arg4[%swap3A, %swap3A_22, %swap3A_23] : memref<1x10000x128xf32, #tpu.memory_space<vmem>>, vector<1x10000x128xf32>
    %swap3A_25 = vector.shape_cast %swap3A_24 : vector<1x10000x128xf32> to vector<10000x128xf32>
    %swap3A_26 = vector.shape_cast %max3A_21 : vector<10000x128xf32> to vector<1x10000x128xf32>
    tpu.vector_store %arg4[%swap3A, %swap3A_22, %swap3A_23], %swap3A_26 {strides = array<i32>} : memref<1x10000x128xf32, #tpu.memory_space<vmem>>, vector<1x10000x128xf32>,
    return
  }
  func.func @transform_0(%arg0: i32) -> (i32, i32, i32) {
    %c0_i32 = arith.constant 0 : i32
    %c0_i32_0 = arith.constant 0 : i32
    %c0_i32_1 = arith.constant 0 : i32
    %c0_i32_2 = arith.constant 0 : i32
    return %c0_i32, %c0_i32_0, %c0_i32_1 : i32, i32, i32
  }
  func.func @transform_1(%arg0: i32) -> (i32, i32, i32) {
    %c0_i32 = arith.constant 0 : i32
    %c0_i32_0 = arith.constant 0 : i32
    %c0_i32_1 = arith.constant 0 : i32
    return %arg0, %c0_i32, %c0_i32_0 : i32, i32, i32
  }
  func.func @transform_2(%arg0: i32) -> (i32, i32) {
    %c0_i32 = arith.constant 0 : i32
    %c0_i32_0 = arith.constant 0 : i32
    %c0_i32_1 = arith.constant 0 : i32
    return %c0_i32, %c0_i32_0 : i32, i32
  }
  func.func @transform_3(%arg0: i32) -> (i32, i32, i32) {
    %c0_i32 = arith.constant 0 : i32
    %c0_i32_0 = arith.constant 0 : i32
    %c0_i32_1 = arith.constant 0 : i32
    return %arg0, %c0_i32, %c0_i32_0 : i32, i32, i32
  }
}

module attributes {stable_mosaic.version = 14 : i64} {
  func.func @body(%arg0: i32, %arg1: memref<2x10000x128xf32, #tpu.memory_space<vmem>>, %arg2: memref<10000x128xf32, #tpu.memory_space<vmem>>) attributes {dimension_semantics = [#tpu.dimension_semantics<arbitrary>], iteration_bounds = array<i64: 1>, scalar_prefetch = 0 : i64, scratch_operands = 0 : i64, tpu.core_type = #tpu.core_type<tc>, window_params = [{transform_indices = @transform_0, window_bounds = array<i64: 2, 10000, 128>}, {pipeline_mode = #tpu.pipeline_mode<synchronous>, transform_indices = @transform_1, window_bounds = array<i64: 10000, 128>}]} {
    %get3A = arith.constant 0 : index
    %get3A_0 = arith.constant 0 : index
    %get3A_1 = arith.constant 0 : index
    %get3A_2 = vector.load %arg1[%get3A, %get3A_0, %get3A_1] : memref<2x10000x128xf32, #tpu.memory_space<vmem>>, vector<1x10000x128xf32>
    %get3A_3 = vector.shape_cast %get3A_2 : vector<1x10000x128xf32> to vector<10000x128xf32>
    %get3A_4 = arith.constant 1 : index
    %get3A_5 = arith.constant 0 : index
    %get3A_6 = arith.constant 0 : index
    %get3A_7 = vector.load %arg1[%get3A_4, %get3A_5, %get3A_6] : memref<2x10000x128xf32, #tpu.memory_space<vmem>>, vector<1x10000x128xf32>
    %get3A_8 = vector.shape_cast %get3A_7 : vector<1x10000x128xf32> to vector<10000x128xf32>
    %add3A = arith.addf %get3A_3, %get3A_8 : vector<10000x128xf32>
    %swap3A = arith.constant 0 : index
    %swap3A_9 = arith.constant 0 : index
    %swap3A_10 = vector.load %arg2[%swap3A, %swap3A_9] : memref<10000x128xf32, #tpu.memory_space<vmem>>, vector<10000x128xf32>
    tpu.vector_store %arg2[%swap3A, %swap3A_9], %add3A {strides = array<i32>} : memref<10000x128xf32, #tpu.memory_space<vmem>>, vector<10000x128xf32>,
    return
  }
  func.func @transform_0(%arg0: i32) -> (i32, i32, i32) {
    %c0_i32 = arith.constant 0 : i32
    %c0_i32_0 = arith.constant 0 : i32
    %c0_i32_1 = arith.constant 0 : i32
    %c0_i32_2 = arith.constant 0 : i32
    return %c0_i32, %c0_i32_0, %c0_i32_1 : i32, i32, i32
  }
  func.func @transform_1(%arg0: i32) -> (i32, i32) {
    %c0_i32 = arith.constant 0 : i32
    %c0_i32_0 = arith.constant 0 : i32
    %c0_i32_1 = arith.constant 0 : i32
    return %c0_i32, %c0_i32_0 : i32, i32
  }
}

</mosaic_0001>

<sc_bundles>
// kernel: kernel.10.cloned.1.call-start
scs
__scs_entry_jumppad:
0x0: {  	(pc) =	sbr.rel $0x88, $3  }
0x1: {  	(tag) =	ssettag $0x0;
	lr =	simm.s32 $0x1  }
0x2: {  	[smem:$0x3F9A] =	sst lr;
	_ =	strace $0xD0000000  }
0x3: {  	_ = 	snop  }
0x4: {  	_ = 	snop  }
0x5: {  	_ = 	snop  }
0x6: {  	_ = 	snop  }
0x7: {  	_ = 	snop  }
__scs_overlays_trampoline_lowered:
0x8: {  	[smem:$0x3FA9] =	sst s0  }
0x9: {  	[smem:$0x3FAA] =	sst s1  }
0xa: {  	[smem:$0x3FAB] =	sst s2  }
0xb: {  	[smem:$0x3FAC] =	sst s3  }
0xc: {  	[smem:$0x3FAD] =	sst s4  }
0xd: {  	[smem:$0x3FAE] =	sst s5  }
0xe: {  	[smem:$0x3FAF] =	sst s6  }
0xf: {  	[smem:$0x3FB0] =	sst s7  }
0x10: {  	[smem:$0x3FB1] =	sst s8  }
0x11: {  	[smem:$0x3FB2] =	sst s9;
	s0 =	simm.s32 @!p0 $0x0  }
0x12: {  	s1 =	sld [smem:$0x3F98];
	s0 =	simm.s32 @p0 $0x1  }
0x13: {  	[smem:$0x3FB3] =	sst s0;
	s0 =	simm.s32 @!p1 $0x0  }
0x14: {  	s2 =	sld [smem:$0x3F97];
	s0 =	simm.s32 @p1 $0x1  }
0x15: {  	[smem:$0x3FB4] =	sst s0;
	s0 =	simm.s32 @!p2 $0x0  }
0x16: {  	s3 =	sld [smem:$0x3FDB];
	s0 =	simm.s32 @p2 $0x1  }
0x17: {  	s4 =	simm.s32 $0x1BF5;
	[smem:$0x3FB6] =	sst s0  }
0x18: {  	s0 =	sld [smem:$0x3F99];
	_ =	swait.ge [sflag:s4], $0x0  }
0x19: {  	s7 =	sld [smem:$0x3F9A]  }
0x1a: {  	s8 =	sadd.s32 $0xFFFFE003, lr  }
0x1b: {  	s9 =	sadd.s32 $0xFFFFFEF7, lr;
	s5 =	simm.s32 $0xFFFFFFFF;
	p2 =	slt.u32 s8, $0xFFFFF086  }
0x1c: {  	p1 =	slt.u32 s9, $0xF7A;
	s5 =	simm.s32 @!p2 $0x0  }
0x1d: {  	s5 =	simm.s32 @p1 $0x1;
	p0 =	seq.s32 s7, s2  }
0x1e: {  	s7 =	smul.u32 @!p0 $0xF7A, s2;
	p2 =	seq.s32 @!p0 s5, $0x0  }
0x1f: {  	s9 =	smul.u32 $0xF7A, s1;
	s8 =	simm.s32 @!p0 $0x1BF5;
	p2 =	por !p2, p0  }
0x20: {  	[sflag:s8] =	ssyncset.s32 @!p0 $0xFFFFF086;
	s6 =	sadd.s32 @!p0 s3, s7;
	s7 =	simm.s32 @!p0 $0x108  }
0x21: {  	s3 =	sadd.s32 s3, s9;
	s6 =	sadd.s32 @!p0 $0x88, s6;
	s7 =	simm.s32 @p2 $0x1082  }
0x22: {  	[simem:s7], [sflag:s8] =	dma.local @!p0 [hbm:s6], $0xF7A  }
0x23: {  	s9 =	sor.u32 $0xD0000000, s2;
	s6 =	simm.s32 $0x108;
	_ =	swait.ge @!p0 [sflag:s8], $0x0  }
0x24: {  	s3 =	sadd.s32 $0x88, s3;
	s6 =	simm.s32 @!p1 $0x1082;
	[sflag:s4] =	ssyncset.s32 $0xFFFFF086  }
0x25: {  	[simem:s6], [sflag:s4] =	dma.local [hbm:s3], $0xF7A  }
0x26: {  	[smem:$0x3F9A] =	sst s1;
	(tag) =	ssettag s2;
	_ =	strace s9  }
0x27: {  	s1 =	sld [smem:$0x3FAA]  }
0x28: {  	s2 =	sld [smem:$0x3FAB]  }
0x29: {  	s4 =	sld [smem:$0x3FAD]  }
0x2a: {  	p0 =	seq.s32 s5, $0x0;
	s5 =	sld [smem:$0x3FAE]  }
0x2b: {  	s6 =	sld [smem:$0x3FAF]  }
0x2c: {  	s7 =	sld [smem:$0x3FB0]  }
0x2d: {  	s3 =	simm.s32 $0x108;
	s8 =	sld [smem:$0x3FB1]  }
0x2e: {  	s3 =	simm.s32 @!p0 $0x1082;
	s9 =	sld [smem:$0x3FB2]  }
0x2f: {  	lr =	sadd.s32 s0, s3;
	s0 =	sld [smem:$0x3FA9]  }
0x30: {  	s3 =	sld [smem:$0x3FAC]  }
0x31: {  	[smem:$0x3FB5] =	sst s10  }
0x32: {  	s10 =	sld [smem:$0x3FB3];
	_ =	sdelay $0x3  }
0x33: {  	p0 =	seq.s32 s10, $0x1;
	s10 =	sld [smem:$0x3FB5];
	_ =	sdelay $0x3  }
0x34: {  	[smem:$0x3FB5] =	sst s10  }
0x35: {  	s10 =	sld [smem:$0x3FB4];
	_ =	sdelay $0x3  }
0x36: {  	p1 =	seq.s32 s10, $0x1;
	s10 =	sld [smem:$0x3FB5];
	_ =	sdelay $0x3  }
0x37: {  	[smem:$0x3FB5] =	sst s10  }
0x38: {  	s10 =	sld [smem:$0x3FB6]  }
0x39: {  	_ = 	snop;
	(pc) =	sbr.ind lr, $3  }
0x3a: {  	_ = 	snop  }
0x3b: {  	_ = 	snop  }
0x3c: {  	p2 =	seq.s32 s10, $0x1;
	s10 =	sld [smem:$0x3FB5]  }
0x3d: {  	_ =	shalt  }
0x3e: {  	_ =	shalt  }
0x3f: {  	_ =	shalt  }
0x40: {  	_ =	shalt  }
0x41: {  	_ =	shalt  }
0x42: {  	_ =	shalt  }
0x43: {  	_ =	shalt  }
0x44: {  	_ =	shalt  }
0x45: {  	_ =	shalt  }
0x46: {  	_ =	shalt  }
0x47: {  	_ =	shalt  }
0x48: {  	_ =	shalt  }
0x49: {  	_ =	shalt  }
0x4a: {  	_ =	shalt  }
0x4b: {  	_ =	shalt  }
0x4c: {  	_ =	shalt  }
0x4d: {  	_ =	shalt  }
0x4e: {  	_ =	shalt  }
0x4f: {  	_ =	shalt  }
0x50: {  	_ =	shalt  }
0x51: {  	_ =	shalt  }
0x52: {  	_ =	shalt  }
0x53: {  	_ =	shalt  }
0x54: {  	_ =	shalt  }
0x55: {  	_ =	shalt  }
0x56: {  	_ =	shalt  }
0x57: {  	_ =	shalt  }
0x58: {  	_ =	shalt  }
0x59: {  	_ =	shalt  }
0x5a: {  	_ =	shalt  }
0x5b: {  	_ =	shalt  }
0x5c: {  	_ =	shalt  }
0x5d: {  	_ =	shalt  }
0x5e: {  	_ =	shalt  }
0x5f: {  	_ =	shalt  }
0x60: {  	_ =	shalt  }
0x61: {  	_ =	shalt  }
0x62: {  	_ =	shalt  }
0x63: {  	_ =	shalt  }
0x64: {  	_ =	shalt  }
0x65: {  	_ =	shalt  }
0x66: {  	_ =	shalt  }
0x67: {  	_ =	shalt  }
0x68: {  	_ =	shalt  }
0x69: {  	_ =	shalt  }
0x6a: {  	_ =	shalt  }
0x6b: {  	_ =	shalt  }
0x6c: {  	_ =	shalt  }
0x6d: {  	_ =	shalt  }
0x6e: {  	_ =	shalt  }
0x6f: {  	_ =	shalt  }
0x70: {  	_ =	shalt  }
0x71: {  	_ =	shalt  }
0x72: {  	_ =	shalt  }
0x73: {  	_ =	shalt  }
0x74: {  	_ =	shalt  }
0x75: {  	_ =	shalt  }
0x76: {  	_ =	shalt  }
0x77: {  	_ =	shalt  }
0x78: {  	_ =	shalt  }
0x79: {  	_ =	shalt  }
0x7a: {  	_ =	shalt  }
0x7b: {  	_ =	shalt  }
0x7c: {  	_ =	shalt  }
0x7d: {  	_ =	shalt  }
0x7e: {  	_ =	shalt  }
0x7f: {  	_ =	shalt  }
0x80: {  	_ =	shalt  }
0x81: {  	_ =	shalt  }
0x82: {  	_ =	shalt  }
0x83: {  	_ =	shalt  }
0x84: {  	_ =	shalt  }
0x85: {  	_ =	shalt  }
0x86: {  	_ =	shalt  }
0x87: {  	_ =	shalt  }
.Lfunc_end0:
.L_simem_size_0:
called_computation.1_lowered:
.L_overlay_start_0:
0x88: {  	s2 =	sld [smem:$0x3FD9]  }
0x89: {  	s3 =	sld [smem:$0x3FFE];
	_ =	sdelay $0x1  }
0x8a: {  	s1 =	srdreg.scid  }
0x8b: {  	s0 =	sand.u32 $0x1, s1  }
0x8c: {  	s17 =	sshll.u32 s0, $0xA;
	s2 =	sadd.s32 s3, s2  }
0x8d: {  	s2 =	sadd.s32 s2, s17  }
0x8e: {  	[smem:$0x3FC1] =	sst s2  }
0x8f: {  	_ = 	snop  }
0x90: {  	s2 =	sld [smem:$0x3FD0];
	(tm) =	ssettm $0x1  }
0x91: {  	s18 =	sld [smem:$0x3FFB];
	_ =	sdelay $0x3  }
0x92: {  	_ =	strace s18  }
0x93: {  	s3 =	sld [smem:$0x3FFC];
	_ =	sdelay $0x3  }
0x94: {  	_ =	strace s3  }
0x95: {  	s3 =	sld [smem:$0x3FFD];
	_ =	sdelay $0x3  }
0x96: {  	_ =	strace s3  }
0x97: {  	_ =	strace $0x8FFFFFFF  }
0x98: {  	s19 =	sld [smem:$0x3FDB];
	_ =	sdelay $0x1  }
0x99: {  	s4 =	simm.s32 $_scs_section_size  }
0x9a: {  	s5 =	simm.s32 $_size__tile_overlayer_lowered;
	s6 =	simm.s32 $_tile_overlayer_lowered  }
0x9b: {  	s22 =	simm.s32 $0x1BFF;
	s21 =	sshll.u32 s6, $0x1;
	s3 =	sadd.s32 s4, s19  }
0x9c: {  	s7 =	simm.s32 $0x0;
	s20 =	sshll.u32 s5, $0x1;
	s5 =	sadd.s32 s21, s3  }
0x9d: {  	[timem:s7], [sflag:s22] =	dma.local [hbm:s5], s20  }
0x9e: {  	_ =	swait.ge [sflag:s22], s20  }
0x9f: {  	s4 =	ssub.s32 $0x0, s20;
	[sflag:s22] =	ssyncset.done $0x0  }
0xa0: {  	[sflag:s22] =	ssyncadd.s32 s4;
	_ =	sdelay $0x1  }
0xa1: {  	s23 =	simm.s32 $0x1B8B  }
0xa2: {  	_ =	swait.ge [sflag:s23], $0x1  }
0xa3: {  	[sflag:s23] =	ssyncset.done $0x0  }
0xa4: {  	s25 =	simm.s32 $0x1B8E;
	s24 =	sld [smem:$0x3FFE];
	[sflag:s23] =	ssyncadd.s32 $0xFFFFFFFF  }
0xa5: {  	s26 =	simm.s32 $execute0_lowered;
	[smem:$0x3FD2] =	sst s25  }
0xa6: {  	s5 =	sshll.u32 s26, $0x1;
	_ =	strace $0x80000049;
	[dreg:$0x1] =	wrdreg $0xFFFFFFFF  }
0xa7: {  	s28 =	simm.s32 $_size_execute0_lowered;
	s3 =	sadd.s32 s3, s5;
	[dreg:$0x0] =	wrdreg $0x0  }
0xa8: {  	s5 =	sshll.u32 s28, $0x1;
	[dreg:$0x2] =	wrdreg s3  }
0xa9: {  	[dreg:$0x3] =	wrdreg s5  }
0xaa: {  	[dreg:$0x4] =	wrdreg $0xC0  }
0xab: {  	_ =	task [dreg:s7], $0x5FFFF  }
0xac: {  	[dreg:$0x1] =	wrdreg $0xFFFFFFFF  }
0xad: {  	[dreg:$0x0] =	wrdreg $0x60  }
0xae: {  	[dreg:$0x2] =	wrdreg s24  }
0xaf: {  	[dreg:$0x3] =	wrdreg s2  }
0xb0: {  	[dreg:$0x4] =	wrdreg $0xB0000  }
0xb1: {  	[dreg:$0x5] =	wrdreg $0x9  }
0xb2: {  	_ =	task.clear_ibuf [dreg:s7], $0x6FFFF;
	_ =	strace $0x90000049  }
0xb3: {  	s29 =	simm.s32 $0x9;
	_ =	strace $0x8000004B  }
0xb4: {  	_ =	swait.ge [sflag:s29], $0x1  }
0xb5: {  	[sflag:s29] =	ssyncadd.s32 $0xFFFFFFFF  }
0xb6: {  	_ =	strace $0x9000004B  }
0xb7: {  	_ =	sfence  }
0xb8: {  	s30 =	sld [smem:$0x0];
	_ =	sdelay $0x2  }
0xb9: {  	s31 =	sshll.u32 s1, $0xD;
	s1 =	sshrl.u32 s1, $0x2  }
0xba: {  	s3 =	sand.u32 $0x4000, s31;
	s1 =	sadd.s32 s1, s30  }
0xbb: {  	s0 =	sor.u32 s3, s0;
	s1 =	sshll.u32 s1, $0x11  }
0xbc: {  	s0 =	sor.u32 s1, s0  }
0xbd: {  	s0 =	sadd.s32 $0x8F2B, s0  }
0xbe: {  	[sflag:s0] =	ssyncadd.remote.s32 $0x1  }
0xbf: {  	_ =	sfence.sel $0xFFFF  }
0xc0: {  	[dreg:$0x0] =	wrdreg $0xFFFFFFFF;
	(pc) =	sbr.abs _section_cstart, $3  }
0xc1: {  	[dreg:$0x1] =	wrdreg $0xFFFFFFFF  }
0xc2: {  	_ =	task.clear_ibuf [dreg:s7], $0x2FFFF;
	_ =	strace $0x9FFFFFFF  }
0xc3: {  	(tm) =	ssettm $0x7FFFFFFF  }
tec
execute0_lowered:
.L_overlay_start_1:
0x0: {  	(tag) =	ssettag $0x1  }
0x1: {  	s7 =	rddreg [dreg:$0x0]  }
0x2: {  	s1 =	srdreg.scid;
	s16 =	rddreg [dreg:$0x1]  }
0x3: {  	s0 =	stileid.u32;
	s2 =	rddreg [dreg:$0x2];
	s3 =	simm.s32 $0x0  }
0x4: {  	s21 =	simm.s32 $0x2;
	s22 =	simm.s32 $0x2800;
	s23 =	simm.s32 $0x80  }
0x5: {  	s24 =	simm.s32 $0x5000;
	s28 =	simm.s32 $0x0;
	s6 =	sand.u32 $0x1, s1  }
0x6: {  	s26 =	sshll.u32 s0, $0x1;
	[smem:$0x7FF] =	sst s3;
	s9 =	smul.u32 $0x14000, s0  }
0x7: {  	s10 =	smul.u32 $0x50000, s0;
	s4 =	sadd.s32 $0xB600, s7;
	s5 =	sadd.s32 $0x143E00, s7  }
0x8: {  	s25 =	sshll.u32 s0, $0x6;
	s1 =	sor.u32 s6, s26;
	s8 =	smul.u32 $0x140000, s6  }
0x9: {  	_ =	strace $0x8000004A;
	s29 =	ssub.s32 $0x2, s6;
	s25 =	sor.u32 $0x1C02, s25  }
0xa: {  	s26 =	simm.s32 $0x1;
	s17 =	smul.u32 $0x500, s1;
	s30 =	sshrl.u32 s10, $0x2  }
0xb: {  	s31 =	sshrl.u32 s29, $0x1;
	s8 =	sadd.s32 s9, s8;
	s6 =	sadd.s32 s30, s2  }
0xc: {  	s20 =	ssub.s32 s29, s31;
	s18 =	sadd.s32 s17, s7;
	s8 =	sshrl.u32 s8, $0x3  }
0xd: {  	s9 =	sadd.s32 $0x6000, s6;
	s10 =	sadd.s32 $0x8000, s6;
	s11 =	sadd.s32 $0xA000, s6  }
0xe: {  	s12 =	sadd.s32 $0xC000, s6;
	s13 =	sadd.s32 $0xE000, s6;
	s14 =	sadd.s32 $0x10000, s6  }
0xf: {  	s15 =	sadd.s32 $0x12000, s6;
	s16 =	sadd.s32 s16, s17;
	s19 =	sadd.s32 s8, s7  }
0x10: {  	s7 =	sadd.s32 $0x2000, s6;
	s8 =	sadd.s32 $0x4000, s6;
	s17 =	sadd.s32 $0x1600, s18  }
0x11: {  	s18 =	sadd.s32 $0x144200, s19;
	s19 =	smax.u32 s20, $0x1;
	s20 =	simm.s32 $0x9000  }
.LBB2_1:
0x12: {  	[tilespmem:s20], [sflag:$0x2] =	stream.linear.gather [hbm4b:s5+s3], $0x2000, $0x38;
	[tilespmem:$0x1F000] =	vst v63  }
0x13: {  	_ =	swait.ge [sflag:s21], $0x2000  }
0x14: {  	[sflag:s21] =	ssyncset.done $0x0  }
0x15: {  	[sflag:s21] =	ssyncadd.s32 $0xFFFFE000  }
0x16: {  	[spmem:s6] =	stream.linear.scatter [tilespmem:s20], [sflag:$0x2], $0x2000, $0x38;
	[tilespmem:$0x1F000] =	vst v63  }
0x17: {  	_ =	swait.ge [sflag:s21], $0x2000  }
0x18: {  	[sflag:s21] =	ssyncset.done $0x0  }
0x19: {  	[sflag:s21] =	ssyncadd.s32 $0xFFFFE000  }
0x1a: {  	[spmem:s7] =	stream.linear.scatter [tilespmem:s20], [sflag:$0x2], $0x2000, $0x38;
	[tilespmem:$0x1F000] =	vst v63  }
0x1b: {  	_ =	swait.ge [sflag:s21], $0x2000  }
0x1c: {  	[sflag:s21] =	ssyncset.done $0x0  }
0x1d: {  	[sflag:s21] =	ssyncadd.s32 $0xFFFFE000  }
0x1e: {  	[spmem:s8] =	stream.linear.scatter [tilespmem:s20], [sflag:$0x2], $0x2000, $0x38;
	[tilespmem:$0x1F000] =	vst v63  }
0x1f: {  	_ =	swait.ge [sflag:s21], $0x2000  }
0x20: {  	[sflag:s21] =	ssyncset.done $0x0  }
0x21: {  	[sflag:s21] =	ssyncadd.s32 $0xFFFFE000  }
0x22: {  	[spmem:s9] =	stream.linear.scatter [tilespmem:s20], [sflag:$0x2], $0x2000, $0x38;
	[tilespmem:$0x1F000] =	vst v63  }
0x23: {  	_ =	swait.ge [sflag:s21], $0x2000  }
0x24: {  	[sflag:s21] =	ssyncset.done $0x0  }
0x25: {  	[sflag:s21] =	ssyncadd.s32 $0xFFFFE000  }
0x26: {  	[spmem:s10] =	stream.linear.scatter [tilespmem:s20], [sflag:$0x2], $0x2000, $0x38;
	[tilespmem:$0x1F000] =	vst v63  }
0x27: {  	_ =	swait.ge [sflag:s21], $0x2000  }
0x28: {  	[sflag:s21] =	ssyncset.done $0x0  }
0x29: {  	[sflag:s21] =	ssyncadd.s32 $0xFFFFE000  }
0x2a: {  	[spmem:s11] =	stream.linear.scatter [tilespmem:s20], [sflag:$0x2], $0x2000, $0x38;
	[tilespmem:$0x1F000] =	vst v63  }
0x2b: {  	_ =	swait.ge [sflag:s21], $0x2000  }
0x2c: {  	[sflag:s21] =	ssyncset.done $0x0  }
0x2d: {  	[sflag:s21] =	ssyncadd.s32 $0xFFFFE000  }
0x2e: {  	[spmem:s12] =	stream.linear.scatter [tilespmem:s20], [sflag:$0x2], $0x2000, $0x38;
	[tilespmem:$0x1F000] =	vst v63  }
0x2f: {  	_ =	swait.ge [sflag:s21], $0x2000  }
0x30: {  	[sflag:s21] =	ssyncset.done $0x0  }
0x31: {  	[sflag:s21] =	ssyncadd.s32 $0xFFFFE000  }
0x32: {  	[spmem:s13] =	stream.linear.scatter [tilespmem:s20], [sflag:$0x2], $0x2000, $0x38;
	[tilespmem:$0x1F000] =	vst v63  }
0x33: {  	_ =	swait.ge [sflag:s21], $0x2000  }
0x34: {  	[sflag:s21] =	ssyncset.done $0x0  }
0x35: {  	[sflag:s21] =	ssyncadd.s32 $0xFFFFE000  }
0x36: {  	[spmem:s14] =	stream.linear.scatter [tilespmem:s20], [sflag:$0x2], $0x2000, $0x38;
	[tilespmem:$0x1F000] =	vst v63  }
0x37: {  	_ =	swait.ge [sflag:s21], $0x2000  }
0x38: {  	[sflag:s21] =	ssyncset.done $0x0  }
0x39: {  	[sflag:s21] =	ssyncadd.s32 $0xFFFFE000  }
0x3a: {  	[spmem:s15] =	stream.linear.scatter [tilespmem:s20], [sflag:$0x2], $0x2000, $0x38;
	[tilespmem:$0x1F000] =	vst v63  }
0x3b: {  	_ =	swait.ge [sflag:s21], $0x2000  }
0x3c: {  	[sflag:s21] =	ssyncset.done $0x0  }
0x3d: {  	[sflag:s21] =	ssyncadd.s32 $0xFFFFE000  }
0x3e: {  	[tilespmem:s3], [sflag:$0x2] =	stream.linear.gather [hbm4b:s16+s3], $0x2780, $0x38;
	[tilespmem:$0x1F000] =	vst v63  }
0x3f: {  	_ =	swait.ge [sflag:s21], $0x2780  }
0x40: {  	[sflag:s21] =	ssyncset.done $0x0  }
0x41: {  	[sflag:s21] =	ssyncadd.s32 $0xFFFFD880  }
0x42: {  	[tilespmem:s22], [sflag:$0x2] =	stream.linear.gather [hbm4b:s17+s3], $0x2780, $0x38;
	[tilespmem:$0x1F000] =	vst v63  }
0x43: {  	_ =	swait.ge [sflag:s21], $0x2780  }
0x44: {  	[sflag:s21] =	ssyncset.done $0x0  }
0x45: {  	[sflag:s21] =	ssyncadd.s32 $0xFFFFD880  }
0x46: {  	s29 =	simm.s32 $0x0;
	[bflag:$0x0] =	sbarrier.arrive $0xFFFF  }
0x47: {  	[tilespmem:s24], [sflag:$0x1] =	stream.indirect.gather [hbm4b:s4+s23], $0x80, s29, s23, $0xb8;
	[tilespmem:$0x1F000] =	vst v63  }
0x48: {  	_ =	swait.ge [sflag:s26], $0x4000  }
0x49: {  	[sflag:s26] =	ssyncset.done $0x0  }
0x4a: {  	s29 =	simm.s32 $0x2800;
	[sflag:s26] =	ssyncadd.s32 $0xFFFFC000  }
0x4b: {  	[spmem:s2] =	stream.indirect.scatter.add.f32 [tilespmem:s24], [sflag:$0x2], $0x80, s29, s23, $0xb8;
	[tilespmem:$0x1F000] =	vst v63  }
0x4c: {  	_ =	swait.ge [sflag:s21], $0x4000  }
0x4d: {  	s30 =	simm.s32 $0x400;
	s29 =	simm.s32 $0x200;
	[sflag:s21] =	ssyncset.done $0x0  }
.LBB2_2:
0x4e: {  	s31 =	sshra.s32 s29, $0x2  }
0x4f: {  	[sflag:s21] =	ssyncadd.s32 $0xFFFFC000;
	s29 =	smov.u32 s30;
	s1 =	sadd.s32 $0x200, s30  }
0x50: {  	[tilespmem:s24], [sflag:$0x1] =	stream.indirect.gather [hbm4b:s4+s23], $0x80, s31, s23, $0xb8;
	[tilespmem:$0x1F000] =	vst v63  }
0x51: {  	p0 =	sne.s32 s30, $0x9C00;
	_ =	swait.ge [sflag:s26], $0x4000  }
.Ltmp0:
0x52: {  	[sflag:s26] =	ssyncset.done $0x0;
	(pc) =	sbr.rel @p0 .LBB2_2-.Ltmp0, $4  }
0x53: {  	s30 =	sadd.s32 $0x2800, s31;
	[sflag:s26] =	ssyncadd.s32 $0xFFFFC000  }
0x54: {  	[spmem:s2] =	stream.indirect.scatter.add.f32 [tilespmem:s24], [sflag:$0x2], $0x80, s30, s23, $0xb8;
	[tilespmem:$0x1F000] =	vst v63  }
0x55: {  	_ =	swait.ge [sflag:s21], $0x4000  }
0x56: {  	s30 =	smov.u32 s1;
	[sflag:s21] =	ssyncset.done $0x0  }
0x57: {  	s1 =	sshra.s32 s29, $0x2;
	[sflag:s21] =	ssyncadd.s32 $0xFFFFC000  }
0x58: {  	[tilespmem:s24], [sflag:$0x1] =	stream.indirect.gather [hbm4b:s4+s23], $0x80, s1, s23, $0xb8;
	[tilespmem:$0x1F000] =	vst v63  }
0x59: {  	_ =	swait.ge [sflag:s26], $0x4000  }
0x5a: {  	[sflag:s26] =	ssyncset.done $0x0  }
0x5b: {  	s1 =	sadd.s32 $0x2800, s1;
	[sflag:s26] =	ssyncadd.s32 $0xFFFFC000  }
0x5c: {  	[spmem:s2] =	stream.indirect.scatter.add.f32 [tilespmem:s24], [sflag:$0x2], $0x80, s1, s23, $0xb8;
	[tilespmem:$0x1F000] =	vst v63  }
0x5d: {  	_ =	swait.ge [sflag:s21], $0x4000  }
0x5e: {  	s28 =	sadd.s32 $0x1, s28;
	[sflag:s21] =	ssyncset.done $0x0  }
0x5f: {  	p0 =	sne.s32 s28, s19;
	[sflag:s21] =	ssyncadd.s32 $0xFFFFC000  }
.Ltmp1:
0x60: {  	s31 =	sshrl.u32 s6, $0x3;
	[bflag:$0x0] =	sbarrier.arrive $0xFFFF;
	(pc) =	sbr.rel @p0 .LBB2_1-.Ltmp1, $4  }
0x61: {  	[hbm:s18], [sflag:s25] =	dma.local [spmem:s31], $0x2800  }
0x62: {  	_ =	swait.ge [sflag:s21], $0x2800  }
0x63: {  	[sflag:s21] =	ssyncset.done $0x0  }
0x64: {  	[sflag:s21] =	ssyncadd.s32 $0xFFFFD800  }
0x65: {  	_ =	sfence.sel $0x180000  }
0x66: {  	[bflag:$0x0] =	sbarrier.arrive $0xFFFF  }
0x67: {  	_ =	strace $0x9000004A  }
0x68: {  	[bflag:$0x2] =	sbarrier.arrive $0xFFFF  }
0x69: {  	p0 =	sne.s32 s0, $0x0;
	s0 =	rddreg [dreg:$0x3]  }
0x6a: {  	s0 =	sadd.s32 @!p0 $0x100000, s0  }
0x6b: {  	[sflag:s0] =	ssyncadd.tile.s32 @!p0 $0x1;
	_ =	shalt  }
.Lfunc_end2:
_tile_overlayer_lowered:
.L_overlay_start_2:
0x6c: {  	(tag) =	ssettag $0x2  }
0x6d: {  	s0 =	rddreg [dreg:$0x0];
	s2 =	stileid.u32  }
0x6e: {  	s1 =	rddreg [dreg:$0x1];
	p0 =	sne.s32 s2, $0x0  }
0x6f: {  	s3 =	rddreg [dreg:$0x2];
	[bflag:$0x3] =	sbarrier.arrive $0xFFFF;
	s2 =	simm.s32 @!p0 $0x1C02  }
0x70: {  	[timem:s3], [sflag:s2] =	dma.local @!p0 [hbm:s0], s1  }
0x71: {  	s0 =	simm.s32 @!p0 $0x2  }
0x72: {  	_ =	swait.ge @!p0 [sflag:s0], s1  }
0x73: {  	s1 =	ssub.s32 @!p0 $0x0, s1;
	[sflag:s0] =	ssyncset.done @!p0 $0x0  }
0x74: {  	[sflag:s0] =	ssyncadd.s32 @!p0 s1  }
0x75: {  	[bflag:$0x3] =	sbarrier.arrive $0xFFFF  }
0x76: {  	_ =	shalt  }

// kernel: kernel.7.cloned.1.call-start
scs
__scs_entry_jumppad:
0x0: {  	(pc) =	sbr.rel $0x88, $3  }
0x1: {  	(tag) =	ssettag $0x0;
	lr =	simm.s32 $0x1  }
0x2: {  	[smem:$0x3F9A] =	sst lr;
	_ =	strace $0xD0000000  }
0x3: {  	_ = 	snop  }
0x4: {  	_ = 	snop  }
0x5: {  	_ = 	snop  }
0x6: {  	_ = 	snop  }
0x7: {  	_ = 	snop  }
__scs_overlays_trampoline_lowered:
0x8: {  	[smem:$0x3FA9] =	sst s0  }
0x9: {  	[smem:$0x3FAA] =	sst s1  }
0xa: {  	[smem:$0x3FAB] =	sst s2  }
0xb: {  	[smem:$0x3FAC] =	sst s3  }
0xc: {  	[smem:$0x3FAD] =	sst s4  }
0xd: {  	[smem:$0x3FAE] =	sst s5  }
0xe: {  	[smem:$0x3FAF] =	sst s6  }
0xf: {  	[smem:$0x3FB0] =	sst s7  }
0x10: {  	[smem:$0x3FB1] =	sst s8  }
0x11: {  	[smem:$0x3FB2] =	sst s9;
	s0 =	simm.s32 @!p0 $0x0  }
0x12: {  	s1 =	sld [smem:$0x3F98];
	s0 =	simm.s32 @p0 $0x1  }
0x13: {  	[smem:$0x3FB3] =	sst s0;
	s0 =	simm.s32 @!p1 $0x0  }
0x14: {  	s2 =	sld [smem:$0x3F97];
	s0 =	simm.s32 @p1 $0x1  }
0x15: {  	[smem:$0x3FB4] =	sst s0;
	s0 =	simm.s32 @!p2 $0x0  }
0x16: {  	s3 =	sld [smem:$0x3FDB];
	s0 =	simm.s32 @p2 $0x1  }
0x17: {  	s4 =	simm.s32 $0x1BF5;
	[smem:$0x3FB6] =	sst s0  }
0x18: {  	s0 =	sld [smem:$0x3F99];
	_ =	swait.ge [sflag:s4], $0x0  }
0x19: {  	s7 =	sld [smem:$0x3F9A]  }
0x1a: {  	s8 =	sadd.s32 $0xFFFFE003, lr  }
0x1b: {  	s9 =	sadd.s32 $0xFFFFFEF7, lr;
	s5 =	simm.s32 $0xFFFFFFFF;
	p2 =	slt.u32 s8, $0xFFFFF086  }
0x1c: {  	p1 =	slt.u32 s9, $0xF7A;
	s5 =	simm.s32 @!p2 $0x0  }
0x1d: {  	s5 =	simm.s32 @p1 $0x1;
	p0 =	seq.s32 s7, s2  }
0x1e: {  	s7 =	smul.u32 @!p0 $0xF7A, s2;
	p2 =	seq.s32 @!p0 s5, $0x0  }
0x1f: {  	s9 =	smul.u32 $0xF7A, s1;
	s8 =	simm.s32 @!p0 $0x1BF5;
	p2 =	por !p2, p0  }
0x20: {  	[sflag:s8] =	ssyncset.s32 @!p0 $0xFFFFF086;
	s6 =	sadd.s32 @!p0 s3, s7;
	s7 =	simm.s32 @!p0 $0x108  }
0x21: {  	s3 =	sadd.s32 s3, s9;
	s6 =	sadd.s32 @!p0 $0x88, s6;
	s7 =	simm.s32 @p2 $0x1082  }
0x22: {  	[simem:s7], [sflag:s8] =	dma.local @!p0 [hbm:s6], $0xF7A  }
0x23: {  	s9 =	sor.u32 $0xD0000000, s2;
	s6 =	simm.s32 $0x108;
	_ =	swait.ge @!p0 [sflag:s8], $0x0  }
0x24: {  	s3 =	sadd.s32 $0x88, s3;
	s6 =	simm.s32 @!p1 $0x1082;
	[sflag:s4] =	ssyncset.s32 $0xFFFFF086  }
0x25: {  	[simem:s6], [sflag:s4] =	dma.local [hbm:s3], $0xF7A  }
0x26: {  	[smem:$0x3F9A] =	sst s1;
	(tag) =	ssettag s2;
	_ =	strace s9  }
0x27: {  	s1 =	sld [smem:$0x3FAA]  }
0x28: {  	s2 =	sld [smem:$0x3FAB]  }
0x29: {  	s4 =	sld [smem:$0x3FAD]  }
0x2a: {  	p0 =	seq.s32 s5, $0x0;
	s5 =	sld [smem:$0x3FAE]  }
0x2b: {  	s6 =	sld [smem:$0x3FAF]  }
0x2c: {  	s7 =	sld [smem:$0x3FB0]  }
0x2d: {  	s3 =	simm.s32 $0x108;
	s8 =	sld [smem:$0x3FB1]  }
0x2e: {  	s3 =	simm.s32 @!p0 $0x1082;
	s9 =	sld [smem:$0x3FB2]  }
0x2f: {  	lr =	sadd.s32 s0, s3;
	s0 =	sld [smem:$0x3FA9]  }
0x30: {  	s3 =	sld [smem:$0x3FAC]  }
0x31: {  	[smem:$0x3FB5] =	sst s10  }
0x32: {  	s10 =	sld [smem:$0x3FB3];
	_ =	sdelay $0x3  }
0x33: {  	p0 =	seq.s32 s10, $0x1;
	s10 =	sld [smem:$0x3FB5];
	_ =	sdelay $0x3  }
0x34: {  	[smem:$0x3FB5] =	sst s10  }
0x35: {  	s10 =	sld [smem:$0x3FB4];
	_ =	sdelay $0x3  }
0x36: {  	p1 =	seq.s32 s10, $0x1;
	s10 =	sld [smem:$0x3FB5];
	_ =	sdelay $0x3  }
0x37: {  	[smem:$0x3FB5] =	sst s10  }
0x38: {  	s10 =	sld [smem:$0x3FB6]  }
0x39: {  	_ = 	snop;
	(pc) =	sbr.ind lr, $3  }
0x3a: {  	_ = 	snop  }
0x3b: {  	_ = 	snop  }
0x3c: {  	p2 =	seq.s32 s10, $0x1;
	s10 =	sld [smem:$0x3FB5]  }
0x3d: {  	_ =	shalt  }
0x3e: {  	_ =	shalt  }
0x3f: {  	_ =	shalt  }
0x40: {  	_ =	shalt  }
0x41: {  	_ =	shalt  }
0x42: {  	_ =	shalt  }
0x43: {  	_ =	shalt  }
0x44: {  	_ =	shalt  }
0x45: {  	_ =	shalt  }
0x46: {  	_ =	shalt  }
0x47: {  	_ =	shalt  }
0x48: {  	_ =	shalt  }
0x49: {  	_ =	shalt  }
0x4a: {  	_ =	shalt  }
0x4b: {  	_ =	shalt  }
0x4c: {  	_ =	shalt  }
0x4d: {  	_ =	shalt  }
0x4e: {  	_ =	shalt  }
0x4f: {  	_ =	shalt  }
0x50: {  	_ =	shalt  }
0x51: {  	_ =	shalt  }
0x52: {  	_ =	shalt  }
0x53: {  	_ =	shalt  }
0x54: {  	_ =	shalt  }
0x55: {  	_ =	shalt  }
0x56: {  	_ =	shalt  }
0x57: {  	_ =	shalt  }
0x58: {  	_ =	shalt  }
0x59: {  	_ =	shalt  }
0x5a: {  	_ =	shalt  }
0x5b: {  	_ =	shalt  }
0x5c: {  	_ =	shalt  }
0x5d: {  	_ =	shalt  }
0x5e: {  	_ =	shalt  }
0x5f: {  	_ =	shalt  }
0x60: {  	_ =	shalt  }
0x61: {  	_ =	shalt  }
0x62: {  	_ =	shalt  }
0x63: {  	_ =	shalt  }
0x64: {  	_ =	shalt  }
0x65: {  	_ =	shalt  }
0x66: {  	_ =	shalt  }
0x67: {  	_ =	shalt  }
0x68: {  	_ =	shalt  }
0x69: {  	_ =	shalt  }
0x6a: {  	_ =	shalt  }
0x6b: {  	_ =	shalt  }
0x6c: {  	_ =	shalt  }
0x6d: {  	_ =	shalt  }
0x6e: {  	_ =	shalt  }
0x6f: {  	_ =	shalt  }
0x70: {  	_ =	shalt  }
0x71: {  	_ =	shalt  }
0x72: {  	_ =	shalt  }
0x73: {  	_ =	shalt  }
0x74: {  	_ =	shalt  }
0x75: {  	_ =	shalt  }
0x76: {  	_ =	shalt  }
0x77: {  	_ =	shalt  }
0x78: {  	_ =	shalt  }
0x79: {  	_ =	shalt  }
0x7a: {  	_ =	shalt  }
0x7b: {  	_ =	shalt  }
0x7c: {  	_ =	shalt  }
0x7d: {  	_ =	shalt  }
0x7e: {  	_ =	shalt  }
0x7f: {  	_ =	shalt  }
0x80: {  	_ =	shalt  }
0x81: {  	_ =	shalt  }
0x82: {  	_ =	shalt  }
0x83: {  	_ =	shalt  }
0x84: {  	_ =	shalt  }
0x85: {  	_ =	shalt  }
0x86: {  	_ =	shalt  }
0x87: {  	_ =	shalt  }
.Lfunc_end0:
.L_simem_size_0:
called_computation_lowered:
.L_overlay_start_0:
0x88: {  	s2 =	sld [smem:$0x3FD9]  }
0x89: {  	s3 =	sld [smem:$0x3FFE];
	_ =	sdelay $0x1  }
0x8a: {  	s1 =	srdreg.scid  }
0x8b: {  	s0 =	sand.u32 $0x1, s1  }
0x8c: {  	s17 =	sshll.u32 s0, $0xA;
	s2 =	sadd.s32 s3, s2  }
0x8d: {  	s2 =	sadd.s32 s2, s17  }
0x8e: {  	[smem:$0x3FC1] =	sst s2  }
0x8f: {  	_ = 	snop  }
0x90: {  	s2 =	sld [smem:$0x3FD0];
	(tm) =	ssettm $0x1  }
0x91: {  	s18 =	sld [smem:$0x3FFB];
	_ =	sdelay $0x3  }
0x92: {  	_ =	strace s18  }
0x93: {  	s3 =	sld [smem:$0x3FFC];
	_ =	sdelay $0x3  }
0x94: {  	_ =	strace s3  }
0x95: {  	s3 =	sld [smem:$0x3FFD];
	_ =	sdelay $0x3  }
0x96: {  	_ =	strace s3  }
0x97: {  	_ =	strace $0x8FFFFFFF  }
0x98: {  	s19 =	sld [smem:$0x3FDB];
	_ =	sdelay $0x1  }
0x99: {  	s4 =	simm.s32 $_scs_section_size  }
0x9a: {  	s5 =	simm.s32 $_size__tile_overlayer_lowered;
	s6 =	simm.s32 $_tile_overlayer_lowered  }
0x9b: {  	s22 =	simm.s32 $0x1BFF;
	s21 =	sshll.u32 s6, $0x1;
	s3 =	sadd.s32 s4, s19  }
0x9c: {  	s7 =	simm.s32 $0x0;
	s20 =	sshll.u32 s5, $0x1;
	s5 =	sadd.s32 s21, s3  }
0x9d: {  	[timem:s7], [sflag:s22] =	dma.local [hbm:s5], s20  }
0x9e: {  	_ =	swait.ge [sflag:s22], s20  }
0x9f: {  	s4 =	ssub.s32 $0x0, s20;
	[sflag:s22] =	ssyncset.done $0x0  }
0xa0: {  	[sflag:s22] =	ssyncadd.s32 s4;
	_ =	sdelay $0x1  }
0xa1: {  	s23 =	simm.s32 $0x1B8B  }
0xa2: {  	_ =	swait.ge [sflag:s23], $0x1  }
0xa3: {  	[sflag:s23] =	ssyncset.done $0x0  }
0xa4: {  	s25 =	simm.s32 $0x1B8E;
	s24 =	sld [smem:$0x3FFE];
	[sflag:s23] =	ssyncadd.s32 $0xFFFFFFFF  }
0xa5: {  	s26 =	simm.s32 $execute0_lowered;
	[smem:$0x3FD2] =	sst s25  }
0xa6: {  	s5 =	sshll.u32 s26, $0x1;
	_ =	strace $0x80000046;
	[dreg:$0x1] =	wrdreg $0xFFFFFFFF  }
0xa7: {  	s28 =	simm.s32 $_size_execute0_lowered;
	s3 =	sadd.s32 s3, s5;
	[dreg:$0x0] =	wrdreg $0x0  }
0xa8: {  	s5 =	sshll.u32 s28, $0x1;
	[dreg:$0x2] =	wrdreg s3  }
0xa9: {  	[dreg:$0x3] =	wrdreg s5  }
0xaa: {  	[dreg:$0x4] =	wrdreg $0xC0  }
0xab: {  	_ =	task [dreg:s7], $0x5FFFF  }
0xac: {  	[dreg:$0x1] =	wrdreg $0xFFFFFFFF  }
0xad: {  	[dreg:$0x0] =	wrdreg $0x60  }
0xae: {  	[dreg:$0x2] =	wrdreg s24  }
0xaf: {  	[dreg:$0x3] =	wrdreg s2  }
0xb0: {  	[dreg:$0x4] =	wrdreg $0xB0000  }
0xb1: {  	[dreg:$0x5] =	wrdreg $0x9  }
0xb2: {  	_ =	task.clear_ibuf [dreg:s7], $0x6FFFF;
	_ =	strace $0x90000046  }
0xb3: {  	s29 =	simm.s32 $0x9;
	_ =	strace $0x80000048  }
0xb4: {  	_ =	swait.ge [sflag:s29], $0x1  }
0xb5: {  	[sflag:s29] =	ssyncadd.s32 $0xFFFFFFFF  }
0xb6: {  	_ =	strace $0x90000048  }
0xb7: {  	_ =	sfence  }
0xb8: {  	s30 =	sld [smem:$0x0];
	_ =	sdelay $0x2  }
0xb9: {  	s31 =	sshll.u32 s1, $0xD;
	s1 =	sshrl.u32 s1, $0x2  }
0xba: {  	s3 =	sand.u32 $0x4000, s31;
	s1 =	sadd.s32 s1, s30  }
0xbb: {  	s0 =	sor.u32 s3, s0;
	s1 =	sshll.u32 s1, $0x11  }
0xbc: {  	s0 =	sor.u32 s1, s0  }
0xbd: {  	s0 =	sadd.s32 $0x8F2B, s0  }
0xbe: {  	[sflag:s0] =	ssyncadd.remote.s32 $0x1  }
0xbf: {  	_ =	sfence.sel $0xFFFF  }
0xc0: {  	[dreg:$0x0] =	wrdreg $0xFFFFFFFF;
	(pc) =	sbr.abs _section_cstart, $3  }
0xc1: {  	[dreg:$0x1] =	wrdreg $0xFFFFFFFF  }
0xc2: {  	_ =	task.clear_ibuf [dreg:s7], $0x2FFFF;
	_ =	strace $0x9FFFFFFF  }
0xc3: {  	(tm) =	ssettm $0x7FFFFFFF  }
tec
execute0_lowered:
.L_overlay_start_1:
0x0: {  	(tag) =	ssettag $0x1  }
0x1: {  	s7 =	rddreg [dreg:$0x0]  }
0x2: {  	s1 =	srdreg.scid;
	s16 =	rddreg [dreg:$0x1]  }
0x3: {  	s0 =	stileid.u32;
	s2 =	rddreg [dreg:$0x2];
	s3 =	simm.s32 $0x0  }
0x4: {  	s21 =	simm.s32 $0x2;
	s22 =	simm.s32 $0x2800;
	s23 =	simm.s32 $0x80  }
0x5: {  	s24 =	simm.s32 $0x5000;
	s28 =	simm.s32 $0x0;
	s6 =	sand.u32 $0x1, s1  }
0x6: {  	s26 =	sshll.u32 s0, $0x1;
	[smem:$0x7FF] =	sst s3;
	s9 =	smul.u32 $0x14000, s0  }
0x7: {  	s10 =	smul.u32 $0x50000, s0;
	s4 =	sadd.s32 $0xB600, s7;
	s5 =	sadd.s32 $0x143E00, s7  }
0x8: {  	s25 =	sshll.u32 s0, $0x6;
	s1 =	sor.u32 s6, s26;
	s8 =	smul.u32 $0x140000, s6  }
0x9: {  	_ =	strace $0x80000047;
	s29 =	ssub.s32 $0x2, s6;
	s25 =	sor.u32 $0x1C02, s25  }
0xa: {  	s26 =	simm.s32 $0x1;
	s17 =	smul.u32 $0x500, s1;
	s30 =	sshrl.u32 s10, $0x2  }
0xb: {  	s31 =	sshrl.u32 s29, $0x1;
	s8 =	sadd.s32 s9, s8;
	s6 =	sadd.s32 s30, s2  }
0xc: {  	s20 =	ssub.s32 s29, s31;
	s18 =	sadd.s32 s17, s7;
	s8 =	sshrl.u32 s8, $0x3  }
0xd: {  	s9 =	sadd.s32 $0x6000, s6;
	s10 =	sadd.s32 $0x8000, s6;
	s11 =	sadd.s32 $0xA000, s6  }
0xe: {  	s12 =	sadd.s32 $0xC000, s6;
	s13 =	sadd.s32 $0xE000, s6;
	s14 =	sadd.s32 $0x10000, s6  }
0xf: {  	s15 =	sadd.s32 $0x12000, s6;
	s16 =	sadd.s32 s16, s17;
	s19 =	sadd.s32 s8, s7  }
0x10: {  	s7 =	sadd.s32 $0x2000, s6;
	s8 =	sadd.s32 $0x4000, s6;
	s17 =	sadd.s32 $0x1600, s18  }
0x11: {  	s18 =	sadd.s32 $0x144200, s19;
	s19 =	smax.u32 s20, $0x1;
	s20 =	simm.s32 $0x9000  }
.LBB2_1:
0x12: {  	[tilespmem:s20], [sflag:$0x2] =	stream.linear.gather [hbm4b:s5+s3], $0x2000, $0x38;
	[tilespmem:$0x1F000] =	vst v63  }
0x13: {  	_ =	swait.ge [sflag:s21], $0x2000  }
0x14: {  	[sflag:s21] =	ssyncset.done $0x0  }
0x15: {  	[sflag:s21] =	ssyncadd.s32 $0xFFFFE000  }
0x16: {  	[spmem:s6] =	stream.linear.scatter [tilespmem:s20], [sflag:$0x2], $0x2000, $0x38;
	[tilespmem:$0x1F000] =	vst v63  }
0x17: {  	_ =	swait.ge [sflag:s21], $0x2000  }
0x18: {  	[sflag:s21] =	ssyncset.done $0x0  }
0x19: {  	[sflag:s21] =	ssyncadd.s32 $0xFFFFE000  }
0x1a: {  	[spmem:s7] =	stream.linear.scatter [tilespmem:s20], [sflag:$0x2], $0x2000, $0x38;
	[tilespmem:$0x1F000] =	vst v63  }
0x1b: {  	_ =	swait.ge [sflag:s21], $0x2000  }
0x1c: {  	[sflag:s21] =	ssyncset.done $0x0  }
0x1d: {  	[sflag:s21] =	ssyncadd.s32 $0xFFFFE000  }
0x1e: {  	[spmem:s8] =	stream.linear.scatter [tilespmem:s20], [sflag:$0x2], $0x2000, $0x38;
	[tilespmem:$0x1F000] =	vst v63  }
0x1f: {  	_ =	swait.ge [sflag:s21], $0x2000  }
0x20: {  	[sflag:s21] =	ssyncset.done $0x0  }
0x21: {  	[sflag:s21] =	ssyncadd.s32 $0xFFFFE000  }
0x22: {  	[spmem:s9] =	stream.linear.scatter [tilespmem:s20], [sflag:$0x2], $0x2000, $0x38;
	[tilespmem:$0x1F000] =	vst v63  }
0x23: {  	_ =	swait.ge [sflag:s21], $0x2000  }
0x24: {  	[sflag:s21] =	ssyncset.done $0x0  }
0x25: {  	[sflag:s21] =	ssyncadd.s32 $0xFFFFE000  }
0x26: {  	[spmem:s10] =	stream.linear.scatter [tilespmem:s20], [sflag:$0x2], $0x2000, $0x38;
	[tilespmem:$0x1F000] =	vst v63  }
0x27: {  	_ =	swait.ge [sflag:s21], $0x2000  }
0x28: {  	[sflag:s21] =	ssyncset.done $0x0  }
0x29: {  	[sflag:s21] =	ssyncadd.s32 $0xFFFFE000  }
0x2a: {  	[spmem:s11] =	stream.linear.scatter [tilespmem:s20], [sflag:$0x2], $0x2000, $0x38;
	[tilespmem:$0x1F000] =	vst v63  }
0x2b: {  	_ =	swait.ge [sflag:s21], $0x2000  }
0x2c: {  	[sflag:s21] =	ssyncset.done $0x0  }
0x2d: {  	[sflag:s21] =	ssyncadd.s32 $0xFFFFE000  }
0x2e: {  	[spmem:s12] =	stream.linear.scatter [tilespmem:s20], [sflag:$0x2], $0x2000, $0x38;
	[tilespmem:$0x1F000] =	vst v63  }
0x2f: {  	_ =	swait.ge [sflag:s21], $0x2000  }
0x30: {  	[sflag:s21] =	ssyncset.done $0x0  }
0x31: {  	[sflag:s21] =	ssyncadd.s32 $0xFFFFE000  }
0x32: {  	[spmem:s13] =	stream.linear.scatter [tilespmem:s20], [sflag:$0x2], $0x2000, $0x38;
	[tilespmem:$0x1F000] =	vst v63  }
0x33: {  	_ =	swait.ge [sflag:s21], $0x2000  }
0x34: {  	[sflag:s21] =	ssyncset.done $0x0  }
0x35: {  	[sflag:s21] =	ssyncadd.s32 $0xFFFFE000  }
0x36: {  	[spmem:s14] =	stream.linear.scatter [tilespmem:s20], [sflag:$0x2], $0x2000, $0x38;
	[tilespmem:$0x1F000] =	vst v63  }
0x37: {  	_ =	swait.ge [sflag:s21], $0x2000  }
0x38: {  	[sflag:s21] =	ssyncset.done $0x0  }
0x39: {  	[sflag:s21] =	ssyncadd.s32 $0xFFFFE000  }
0x3a: {  	[spmem:s15] =	stream.linear.scatter [tilespmem:s20], [sflag:$0x2], $0x2000, $0x38;
	[tilespmem:$0x1F000] =	vst v63  }
0x3b: {  	_ =	swait.ge [sflag:s21], $0x2000  }
0x3c: {  	[sflag:s21] =	ssyncset.done $0x0  }
0x3d: {  	[sflag:s21] =	ssyncadd.s32 $0xFFFFE000  }
0x3e: {  	[tilespmem:s3], [sflag:$0x2] =	stream.linear.gather [hbm4b:s16+s3], $0x2780, $0x38;
	[tilespmem:$0x1F000] =	vst v63  }
0x3f: {  	_ =	swait.ge [sflag:s21], $0x2780  }
0x40: {  	[sflag:s21] =	ssyncset.done $0x0  }
0x41: {  	[sflag:s21] =	ssyncadd.s32 $0xFFFFD880  }
0x42: {  	[tilespmem:s22], [sflag:$0x2] =	stream.linear.gather [hbm4b:s17+s3], $0x2780, $0x38;
	[tilespmem:$0x1F000] =	vst v63  }
0x43: {  	_ =	swait.ge [sflag:s21], $0x2780  }
0x44: {  	[sflag:s21] =	ssyncset.done $0x0  }
0x45: {  	[sflag:s21] =	ssyncadd.s32 $0xFFFFD880  }
0x46: {  	s29 =	simm.s32 $0x0;
	[bflag:$0x0] =	sbarrier.arrive $0xFFFF  }
0x47: {  	[tilespmem:s24], [sflag:$0x1] =	stream.indirect.gather [hbm4b:s4+s23], $0x80, s29, s23, $0xb8;
	[tilespmem:$0x1F000] =	vst v63  }
0x48: {  	_ =	swait.ge [sflag:s26], $0x4000  }
0x49: {  	[sflag:s26] =	ssyncset.done $0x0  }
0x4a: {  	s29 =	simm.s32 $0x2800;
	[sflag:s26] =	ssyncadd.s32 $0xFFFFC000  }
0x4b: {  	[spmem:s2] =	stream.indirect.scatter.add.f32 [tilespmem:s24], [sflag:$0x2], $0x80, s29, s23, $0xb8;
	[tilespmem:$0x1F000] =	vst v63  }
0x4c: {  	_ =	swait.ge [sflag:s21], $0x4000  }
0x4d: {  	s30 =	simm.s32 $0x400;
	s29 =	simm.s32 $0x200;
	[sflag:s21] =	ssyncset.done $0x0  }
.LBB2_2:
0x4e: {  	s31 =	sshra.s32 s29, $0x2  }
0x4f: {  	[sflag:s21] =	ssyncadd.s32 $0xFFFFC000;
	s29 =	smov.u32 s30;
	s1 =	sadd.s32 $0x200, s30  }
0x50: {  	[tilespmem:s24], [sflag:$0x1] =	stream.indirect.gather [hbm4b:s4+s23], $0x80, s31, s23, $0xb8;
	[tilespmem:$0x1F000] =	vst v63  }
0x51: {  	p0 =	sne.s32 s30, $0x9C00;
	_ =	swait.ge [sflag:s26], $0x4000  }
.Ltmp0:
0x52: {  	[sflag:s26] =	ssyncset.done $0x0;
	(pc) =	sbr.rel @p0 .LBB2_2-.Ltmp0, $4  }
0x53: {  	s30 =	sadd.s32 $0x2800, s31;
	[sflag:s26] =	ssyncadd.s32 $0xFFFFC000  }
0x54: {  	[spmem:s2] =	stream.indirect.scatter.add.f32 [tilespmem:s24], [sflag:$0x2], $0x80, s30, s23, $0xb8;
	[tilespmem:$0x1F000] =	vst v63  }
0x55: {  	_ =	swait.ge [sflag:s21], $0x4000  }
0x56: {  	s30 =	smov.u32 s1;
	[sflag:s21] =	ssyncset.done $0x0  }
0x57: {  	s1 =	sshra.s32 s29, $0x2;
	[sflag:s21] =	ssyncadd.s32 $0xFFFFC000  }
0x58: {  	[tilespmem:s24], [sflag:$0x1] =	stream.indirect.gather [hbm4b:s4+s23], $0x80, s1, s23, $0xb8;
	[tilespmem:$0x1F000] =	vst v63  }
0x59: {  	_ =	swait.ge [sflag:s26], $0x4000  }
0x5a: {  	[sflag:s26] =	ssyncset.done $0x0  }
0x5b: {  	s1 =	sadd.s32 $0x2800, s1;
	[sflag:s26] =	ssyncadd.s32 $0xFFFFC000  }
0x5c: {  	[spmem:s2] =	stream.indirect.scatter.add.f32 [tilespmem:s24], [sflag:$0x2], $0x80, s1, s23, $0xb8;
	[tilespmem:$0x1F000] =	vst v63  }
0x5d: {  	_ =	swait.ge [sflag:s21], $0x4000  }
0x5e: {  	s28 =	sadd.s32 $0x1, s28;
	[sflag:s21] =	ssyncset.done $0x0  }
0x5f: {  	p0 =	sne.s32 s28, s19;
	[sflag:s21] =	ssyncadd.s32 $0xFFFFC000  }
.Ltmp1:
0x60: {  	s31 =	sshrl.u32 s6, $0x3;
	[bflag:$0x0] =	sbarrier.arrive $0xFFFF;
	(pc) =	sbr.rel @p0 .LBB2_1-.Ltmp1, $4  }
0x61: {  	[hbm:s18], [sflag:s25] =	dma.local [spmem:s31], $0x2800  }
0x62: {  	_ =	swait.ge [sflag:s21], $0x2800  }
0x63: {  	[sflag:s21] =	ssyncset.done $0x0  }
0x64: {  	[sflag:s21] =	ssyncadd.s32 $0xFFFFD800  }
0x65: {  	_ =	sfence.sel $0x180000  }
0x66: {  	[bflag:$0x0] =	sbarrier.arrive $0xFFFF  }
0x67: {  	_ =	strace $0x90000047  }
0x68: {  	[bflag:$0x2] =	sbarrier.arrive $0xFFFF  }
0x69: {  	p0 =	sne.s32 s0, $0x0;
	s0 =	rddreg [dreg:$0x3]  }
0x6a: {  	s0 =	sadd.s32 @!p0 $0x100000, s0  }
0x6b: {  	[sflag:s0] =	ssyncadd.tile.s32 @!p0 $0x1;
	_ =	shalt  }
.Lfunc_end2:
_tile_overlayer_lowered:
.L_overlay_start_2:
0x6c: {  	(tag) =	ssettag $0x2  }
0x6d: {  	s0 =	rddreg [dreg:$0x0];
	s2 =	stileid.u32  }
0x6e: {  	s1 =	rddreg [dreg:$0x1];
	p0 =	sne.s32 s2, $0x0  }
0x6f: {  	s3 =	rddreg [dreg:$0x2];
	[bflag:$0x3] =	sbarrier.arrive $0xFFFF;
	s2 =	simm.s32 @!p0 $0x1C02  }
0x70: {  	[timem:s3], [sflag:s2] =	dma.local @!p0 [hbm:s0], s1  }
0x71: {  	s0 =	simm.s32 @!p0 $0x2  }
0x72: {  	_ =	swait.ge @!p0 [sflag:s0], s1  }
0x73: {  	s1 =	ssub.s32 @!p0 $0x0, s1;
	[sflag:s0] =	ssyncset.done @!p0 $0x0  }
0x74: {  	[sflag:s0] =	ssyncadd.s32 @!p0 s1  }
0x75: {  	[bflag:$0x3] =	sbarrier.arrive $0xFFFF  }
0x76: {  	_ =	shalt  }

</sc_bundles>
